<compile_context>
chip_gen: v7x
topology: tpu7x:2x2x1
jax: 0.10.2.dev20260603
libtpu: 0.0.44.dev20260713+nightly
codegen_flags: <defaults>
</compile_context>

<pallas_src>
import functools

import jax
import jax.numpy as jnp
from jax import lax
from jax.experimental import pallas as pl
from jax.experimental.pallas import tpu as pltpu
from jax.experimental.pallas import tpu_sc as plsc

D_MODEL = 1024
NCORES = 2
NSUB = 16
LANES = 16
NW = NCORES * NSUB
K = 8
NB = 6
LA = 3


def _encode_sc(x2d, tok, emb):
    n_tok = x2d.shape[0]
    tpw = n_tok // NW
    nch = tpw // K
    nsteps = (nch - 2) // NB
    mesh = plsc.VectorSubcoreMesh(core_axis_name="c", subcore_axis_name="s")

    @functools.partial(
        pl.kernel,
        out_type=jax.ShapeDtypeStruct((n_tok, D_MODEL), jnp.float32),
        mesh=mesh,
        scratch_types=[
            pltpu.VMEM((tpw,), jnp.int32)]
            + [pltpu.VMEM((K, D_MODEL), jnp.float32) for _ in range(2 * NB)]
            + [pltpu.SemaphoreType.DMA for _ in range(2 * NB)],
    )
    def k(x_hbm, tok_hbm, emb_hbm, out_hbm, idx_v, *bufs_and_sems):
        xbs = bufs_and_sems[:NB]
        rbs = bufs_and_sems[NB:2 * NB]
        sem_in = bufs_and_sems[2 * NB:3 * NB]
        sem_st = bufs_and_sems[3 * NB:4 * NB]

        wid = lax.axis_index("s") * NCORES + lax.axis_index("c")
        base = pl.multiple_of(wid * tpw, 8)
        pltpu.sync_copy(tok_hbm.at[pl.ds(base, tpw)], idx_v)

        def start_in(c, s):
            coff = pl.multiple_of(c * K, 8)
            row0 = pl.multiple_of(base + c * K, 8)
            pltpu.async_copy(emb_hbm.at[idx_v.at[pl.ds(coff, K)]],
                             rbs[s], sem_in[s])
            pltpu.async_copy(x_hbm.at[pl.ds(row0, K)], xbs[s], sem_in[s])

        def wait_in(s):
            pltpu.make_async_copy(emb_hbm.at[idx_v.at[pl.ds(0, K)]],
                                  rbs[s], sem_in[s]).wait()
            pltpu.make_async_copy(x_hbm.at[pl.ds(base, K)], xbs[s],
                                  sem_in[s]).wait()

        def start_st(c, s):
            row0 = pl.multiple_of(base + c * K, 8)
            pltpu.async_copy(rbs[s], out_hbm.at[pl.ds(row0, K)], sem_st[s])

        def wait_st(s):
            pltpu.make_async_copy(rbs[s], out_hbm.at[pl.ds(base, K)],
                                  sem_st[s]).wait()

        def add_chunk(s):
            @pl.loop(0, K)
            def _rows(t):
                @pl.loop(0, D_MODEL // LANES, unroll=8)
                def _add(j):
                    off = pl.multiple_of(j * LANES, LANES)
                    plsc.addupdate(rbs[s].at[t, pl.ds(off, LANES)],
                                   xbs[s][t, pl.ds(off, LANES)])

        for c0 in range(LA):
            start_in(c0, c0)

        @pl.loop(0, nsteps)
        def _steps(i):
            for b in range(NB):
                c = i * NB + b
                s = b
                sn = (b + LA) % NB

                if b < LA:
                    start_in(c + LA, sn)
                elif b < NB - 1:
                    start_in(c + LA, sn)
                else:
                    @pl.when(i < nsteps - 1)
                    def _():
                        start_in(c + LA, sn)

                wait_in(s)
                add_chunk(s)

        for c in range(nch - 2, nch):
            s = c % NB
            wait_in(s)
            add_chunk(s)
        start_st(0, 0)
        wait_st(0)

    return k(x2d, tok, emb)


def kernel(x, tokens, emb_weight):
    b, l, d = x.shape
    x2d = x.reshape(b * l, d)
    tok = tokens.reshape(-1).astype(jnp.int32)
    out = _encode_sc(x2d, tok, emb_weight)
    return out.reshape(b, l, d)

# --- scband reference (transcript-rebuilt; emitter-appended) ---
"""Pipeline reference for scband-learned-encoding-63221918597564 (READ-ONLY COPY).

The authoritative reference and input builder live on the scoring server;
editing this copy changes nothing except your own understanding.
"""

import jax, jax.numpy as jnp
import numpy as np

D_MODEL = 1024
VOCAB = 100000
INIT_RANGE = 0.1
B, L = 4, 8192


def setup_inputs(seed: int = 0) -> dict:
    key = jax.random.key(seed)
    k_x, k_tok, k_emb = jax.random.split(key, 3)
    x = jax.random.normal(k_x, (B, L, D_MODEL), dtype=jnp.float32)
    tokens = jax.random.randint(k_tok, (B, L), 0, VOCAB, dtype=jnp.int64 if jax.config.read('jax_enable_x64') else jnp.int32)
    emb_weight = jax.random.uniform(k_emb, (VOCAB, D_MODEL), dtype=jnp.float32, minval=-INIT_RANGE, maxval=INIT_RANGE)
    return {"x": x, "tokens": tokens, "emb_weight": emb_weight}


def reference(x, tokens, emb_weight):
    # nn.Embedding lookup: gather rows of emb_weight by token id
    tokens_emb = jnp.take(emb_weight, tokens, axis=0)
    return x + tokens_emb

if __name__ == "__main__":
    import jax
    _d = setup_inputs()
    print(jax.jit(kernel)(*tuple(_d.values())))

</pallas_src>

<mosaic_0001>
#map = affine_map<(d0, d1) -> (0, 0)>
#map1 = affine_map<(d0, d1) -> (0)>
module attributes {stable_mosaic.version = 14 : i64} {
  func.func @k(%arg0: i32, %arg1: i32, %arg2: memref<32768x1024xf32, #tpu.memory_space<hbm>>, %arg3: memref<32768xi32, #tpu.memory_space<hbm>>, %arg4: memref<100000x1024xf32, #tpu.memory_space<hbm>>, %arg5: memref<32768x1024xf32, #tpu.memory_space<hbm>>, %arg6: memref<1024xi32, #tpu.memory_space<vmem>>, %arg7: memref<8x1024xf32, #tpu.memory_space<vmem>>, %arg8: memref<8x1024xf32, #tpu.memory_space<vmem>>, %arg9: memref<8x1024xf32, #tpu.memory_space<vmem>>, %arg10: memref<8x1024xf32, #tpu.memory_space<vmem>>, %arg11: memref<8x1024xf32, #tpu.memory_space<vmem>>, %arg12: memref<8x1024xf32, #tpu.memory_space<vmem>>, %arg13: memref<8x1024xf32, #tpu.memory_space<vmem>>, %arg14: memref<8x1024xf32, #tpu.memory_space<vmem>>, %arg15: memref<8x1024xf32, #tpu.memory_space<vmem>>, %arg16: memref<8x1024xf32, #tpu.memory_space<vmem>>, %arg17: memref<8x1024xf32, #tpu.memory_space<vmem>>, %arg18: memref<8x1024xf32, #tpu.memory_space<vmem>>, %arg19: memref<!tpu.dma_semaphore, #tpu.memory_space<semaphore_mem>>, %arg20: memref<!tpu.dma_semaphore, #tpu.memory_space<semaphore_mem>>, %arg21: memref<!tpu.dma_semaphore, #tpu.memory_space<semaphore_mem>>, %arg22: memref<!tpu.dma_semaphore, #tpu.memory_space<semaphore_mem>>, %arg23: memref<!tpu.dma_semaphore, #tpu.memory_space<semaphore_mem>>, %arg24: memref<!tpu.dma_semaphore, #tpu.memory_space<semaphore_mem>>, %arg25: memref<!tpu.dma_semaphore, #tpu.memory_space<semaphore_mem>>, %arg26: memref<!tpu.dma_semaphore, #tpu.memory_space<semaphore_mem>>, %arg27: memref<!tpu.dma_semaphore, #tpu.memory_space<semaphore_mem>>, %arg28: memref<!tpu.dma_semaphore, #tpu.memory_space<semaphore_mem>>, %arg29: memref<!tpu.dma_semaphore, #tpu.memory_space<semaphore_mem>>, %arg30: memref<!tpu.dma_semaphore, #tpu.memory_space<semaphore_mem>>) attributes {dimension_semantics = [#tpu.dimension_semantics<core_parallel>, #tpu.dimension_semantics<subcore_parallel>], iteration_bounds = array<i64: 2, 16>, scalar_prefetch = 0 : i64, scratch_operands = 25 : i64, tpu.core_type = #tpu.core_type<sc_vector_subcore>, window_params = [{transform_indices = #map}, {transform_indices = #map1}, {transform_indices = #map}, {transform_indices = #map}]} {
    %mul3A = arith.constant 2 : i32
    %mul3A_0 = arith.muli %arg1, %mul3A : i32
    %add3A = arith.addi %mul3A_0, %arg0 : i32
    %mul3A_1 = arith.constant 1024 : i32
    %mul3A_2 = arith.muli %add3A, %mul3A_1 : i32
    %multiple_of3A = tpu.assume_multiple %mul3A_2, 8 : i32
    "tpu.region"() ({
      %run_scoped3A = tpu.sem_alloc : memref<!tpu.dma_semaphore, #tpu.memory_space<semaphore_mem>>
      %dma_start3A_83 = tpu.memref_slice %arg3[%multiple_of3A] : memref<32768xi32, #tpu.memory_space<hbm>> -> memref<1024xi32, #tpu.memory_space<hbm>>
      %dma_start3A_84 = tpu.memref_slice %arg3[%multiple_of3A] : memref<32768xi32, #tpu.memory_space<hbm>> -> memref<1024xi32, #tpu.memory_space<hbm>>
      tpu.enqueue_dma source(%dma_start3A_84 : memref<1024xi32, #tpu.memory_space<hbm>>) target(%arg6 : memref<1024xi32, #tpu.memory_space<vmem>>) target_semaphore(%run_scoped3A : memref<!tpu.dma_semaphore, #tpu.memory_space<semaphore_mem>>)
      %dma_wait3A_85 = tpu.memref_slice %arg3[%multiple_of3A] : memref<32768xi32, #tpu.memory_space<hbm>> -> memref<1024xi32, #tpu.memory_space<hbm>>
      %dma_wait3A_86 = tpu.memref_slice %arg3[%multiple_of3A] : memref<32768xi32, #tpu.memory_space<hbm>> -> memref<1024xi32, #tpu.memory_space<hbm>>
      tpu.wait_dma2 semaphore(%run_scoped3A : memref<!tpu.dma_semaphore, #tpu.memory_space<semaphore_mem>>) src(%dma_wait3A_86 : memref<1024xi32, #tpu.memory_space<hbm>>) dst(%arg6 : memref<1024xi32, #tpu.memory_space<vmem>>)
      tpu.yield
    }) : () -> ()
    %multiple_of3A_3 = arith.constant 0 : i32
    %multiple_of3A_4 = tpu.assume_multiple %multiple_of3A_3, 8 : i32
    %add3A_5 = arith.constant 0 : i32
    %add3A_6 = arith.addi %multiple_of3A, %add3A_5 : i32
    %multiple_of3A_7 = tpu.assume_multiple %add3A_6, 8 : i32
    %dma_start3A = tpu.memref_slice %arg6[%multiple_of3A_4] : memref<1024xi32, #tpu.memory_space<vmem>> -> memref<8xi32, #tpu.memory_space<vmem>>
    %dma_start3A_8 = arith.constant 0 : i32
    %dma_start3A_9 = arith.constant 0 : i32
    %dma_start3A_10 = tpu.memref_slice %arg4[%dma_start3A_8, %dma_start3A_9] : memref<100000x1024xf32, #tpu.memory_space<hbm>> -> memref<100000x1024xf32, #tpu.memory_space<hbm>>
    tpu.enqueue_indirect_dma source(%dma_start3A_10 : memref<100000x1024xf32, #tpu.memory_space<hbm>>) target(%arg13 : memref<8x1024xf32, #tpu.memory_space<vmem>>) offsets(%dma_start3A : memref<8xi32, #tpu.memory_space<vmem>>) semaphore(%arg19 : memref<!tpu.dma_semaphore, #tpu.memory_space<semaphore_mem>>)
    %dma_start3A_11 = arith.constant 0 : i32
    %dma_start3A_12 = tpu.memref_slice %arg2[%multiple_of3A_7, %dma_start3A_11] : memref<32768x1024xf32, #tpu.memory_space<hbm>> -> memref<8x1024xf32, #tpu.memory_space<hbm>>
    %dma_start3A_13 = arith.constant 0 : i32
    %dma_start3A_14 = tpu.memref_slice %arg2[%multiple_of3A_7, %dma_start3A_13] : memref<32768x1024xf32, #tpu.memory_space<hbm>> -> memref<8x1024xf32, #tpu.memory_space<hbm>>
    tpu.enqueue_dma source(%dma_start3A_14 : memref<8x1024xf32, #tpu.memory_space<hbm>>) target(%arg7 : memref<8x1024xf32, #tpu.memory_space<vmem>>) target_semaphore(%arg19 : memref<!tpu.dma_semaphore, #tpu.memory_space<semaphore_mem>>)
    %multiple_of3A_15 = arith.constant 8 : i32
    %multiple_of3A_16 = tpu.assume_multiple %multiple_of3A_15, 8 : i32
    %add3A_17 = arith.constant 8 : i32
    %add3A_18 = arith.addi %multiple_of3A, %add3A_17 : i32
    %multiple_of3A_19 = tpu.assume_multiple %add3A_18, 8 : i32
    %dma_start3A_20 = tpu.memref_slice %arg6[%multiple_of3A_16] : memref<1024xi32, #tpu.memory_space<vmem>> -> memref<8xi32, #tpu.memory_space<vmem>>
    %dma_start3A_21 = arith.constant 0 : i32
    %dma_start3A_22 = arith.constant 0 : i32
    %dma_start3A_23 = tpu.memref_slice %arg4[%dma_start3A_21, %dma_start3A_22] : memref<100000x1024xf32, #tpu.memory_space<hbm>> -> memref<100000x1024xf32, #tpu.memory_space<hbm>>
    tpu.enqueue_indirect_dma source(%dma_start3A_23 : memref<100000x1024xf32, #tpu.memory_space<hbm>>) target(%arg14 : memref<8x1024xf32, #tpu.memory_space<vmem>>) offsets(%dma_start3A_20 : memref<8xi32, #tpu.memory_space<vmem>>) semaphore(%arg20 : memref<!tpu.dma_semaphore, #tpu.memory_space<semaphore_mem>>)
    %dma_start3A_24 = arith.constant 0 : i32
    %dma_start3A_25 = tpu.memref_slice %arg2[%multiple_of3A_19, %dma_start3A_24] : memref<32768x1024xf32, #tpu.memory_space<hbm>> -> memref<8x1024xf32, #tpu.memory_space<hbm>>
    %dma_start3A_26 = arith.constant 0 : i32
    %dma_start3A_27 = tpu.memref_slice %arg2[%multiple_of3A_19, %dma_start3A_26] : memref<32768x1024xf32, #tpu.memory_space<hbm>> -> memref<8x1024xf32, #tpu.memory_space<hbm>>
    tpu.enqueue_dma source(%dma_start3A_27 : memref<8x1024xf32, #tpu.memory_space<hbm>>) target(%arg8 : memref<8x1024xf32, #tpu.memory_space<vmem>>) target_semaphore(%arg20 : memref<!tpu.dma_semaphore, #tpu.memory_space<semaphore_mem>>)
    %multiple_of3A_28 = arith.constant 16 : i32
    %multiple_of3A_29 = tpu.assume_multiple %multiple_of3A_28, 8 : i32
    %add3A_30 = arith.constant 16 : i32
    %add3A_31 = arith.addi %multiple_of3A, %add3A_30 : i32
    %multiple_of3A_32 = tpu.assume_multiple %add3A_31, 8 : i32
    %dma_start3A_33 = tpu.memref_slice %arg6[%multiple_of3A_29] : memref<1024xi32, #tpu.memory_space<vmem>> -> memref<8xi32, #tpu.memory_space<vmem>>
    %dma_start3A_34 = arith.constant 0 : i32
    %dma_start3A_35 = arith.constant 0 : i32
    %dma_start3A_36 = tpu.memref_slice %arg4[%dma_start3A_34, %dma_start3A_35] : memref<100000x1024xf32, #tpu.memory_space<hbm>> -> memref<100000x1024xf32, #tpu.memory_space<hbm>>
    tpu.enqueue_indirect_dma source(%dma_start3A_36 : memref<100000x1024xf32, #tpu.memory_space<hbm>>) target(%arg15 : memref<8x1024xf32, #tpu.memory_space<vmem>>) offsets(%dma_start3A_33 : memref<8xi32, #tpu.memory_space<vmem>>) semaphore(%arg21 : memref<!tpu.dma_semaphore, #tpu.memory_space<semaphore_mem>>)
    %dma_start3A_37 = arith.constant 0 : i32
    %dma_start3A_38 = tpu.memref_slice %arg2[%multiple_of3A_32, %dma_start3A_37] : memref<32768x1024xf32, #tpu.memory_space<hbm>> -> memref<8x1024xf32, #tpu.memory_space<hbm>>
    %dma_start3A_39 = arith.constant 0 : i32
    %dma_start3A_40 = tpu.memref_slice %arg2[%multiple_of3A_32, %dma_start3A_39] : memref<32768x1024xf32, #tpu.memory_space<hbm>> -> memref<8x1024xf32, #tpu.memory_space<hbm>>
    tpu.enqueue_dma source(%dma_start3A_40 : memref<8x1024xf32, #tpu.memory_space<hbm>>) target(%arg9 : memref<8x1024xf32, #tpu.memory_space<vmem>>) target_semaphore(%arg21 : memref<!tpu.dma_semaphore, #tpu.memory_space<semaphore_mem>>)
    %scan3A = arith.constant 0 : i32
    %scan3A_41 = arith.constant 21 : i32
    %scan3A_42 = arith.addi %scan3A, %scan3A_41 : i32
    %scan3A_43 = arith.constant 1 : i32
    scf.for %scan3A_83 = %scan3A to %scan3A_42 step %scan3A_43  : i32 {
      %mul3A_84 = arith.constant 1 : i32
      %mul3A_85 = arith.muli %scan3A_83, %mul3A_84 : i32
      %add3A_86 = arith.constant 0 : i32
      %add3A_87 = arith.addi %add3A_86, %mul3A_85 : i32
      %mul3A_88 = arith.constant 6 : i32
      %mul3A_89 = arith.muli %add3A_87, %mul3A_88 : i32
      %add3A_90 = arith.constant 0 : i32
      %add3A_91 = arith.addi %mul3A_89, %add3A_90 : i32
      %add3A_92 = arith.constant 3 : i32
      %add3A_93 = arith.addi %add3A_91, %add3A_92 : i32
      %mul3A_94 = arith.constant 8 : i32
      %mul3A_95 = arith.muli %add3A_93, %mul3A_94 : i32
      %multiple_of3A_96 = tpu.assume_multiple %mul3A_95, 8 : i32
      %mul3A_97 = arith.constant 8 : i32
      %mul3A_98 = arith.muli %add3A_93, %mul3A_97 : i32
      %add3A_99 = arith.addi %multiple_of3A, %mul3A_98 : i32
      %multiple_of3A_100 = tpu.assume_multiple %add3A_99, 8 : i32
      %dma_start3A_101 = tpu.memref_slice %arg6[%multiple_of3A_96] : memref<1024xi32, #tpu.memory_space<vmem>> -> memref<8xi32, #tpu.memory_space<vmem>>
      %dma_start3A_102 = arith.constant 0 : i32
      %dma_start3A_103 = arith.constant 0 : i32
      %dma_start3A_104 = tpu.memref_slice %arg4[%dma_start3A_102, %dma_start3A_103] : memref<100000x1024xf32, #tpu.memory_space<hbm>> -> memref<100000x1024xf32, #tpu.memory_space<hbm>>
      tpu.enqueue_indirect_dma source(%dma_start3A_104 : memref<100000x1024xf32, #tpu.memory_space<hbm>>) target(%arg16 : memref<8x1024xf32, #tpu.memory_space<vmem>>) offsets(%dma_start3A_101 : memref<8xi32, #tpu.memory_space<vmem>>) semaphore(%arg22 : memref<!tpu.dma_semaphore, #tpu.memory_space<semaphore_mem>>)
      %dma_start3A_105 = arith.constant 0 : i32
      %dma_start3A_106 = tpu.memref_slice %arg2[%multiple_of3A_100, %dma_start3A_105] : memref<32768x1024xf32, #tpu.memory_space<hbm>> -> memref<8x1024xf32, #tpu.memory_space<hbm>>
      %dma_start3A_107 = arith.constant 0 : i32
      %dma_start3A_108 = tpu.memref_slice %arg2[%multiple_of3A_100, %dma_start3A_107] : memref<32768x1024xf32, #tpu.memory_space<hbm>> -> memref<8x1024xf32, #tpu.memory_space<hbm>>
      tpu.enqueue_dma source(%dma_start3A_108 : memref<8x1024xf32, #tpu.memory_space<hbm>>) target(%arg10 : memref<8x1024xf32, #tpu.memory_space<vmem>>) target_semaphore(%arg22 : memref<!tpu.dma_semaphore, #tpu.memory_space<semaphore_mem>>)
      %dma_wait3A_109 = arith.constant 0 : i32
      %dma_wait3A_110 = tpu.memref_slice %arg6[%dma_wait3A_109] : memref<1024xi32, #tpu.memory_space<vmem>> -> memref<8xi32, #tpu.memory_space<vmem>>
      %dma_wait3A_111 = arith.constant 0 : i32
      %dma_wait3A_112 = arith.constant 0 : i32
      %dma_wait3A_113 = tpu.memref_slice %arg4[%dma_wait3A_111, %dma_wait3A_112] : memref<100000x1024xf32, #tpu.memory_space<hbm>> -> memref<100000x1024xf32, #tpu.memory_space<hbm>>
      tpu.wait_indirect_dma semaphore(%arg19 : memref<!tpu.dma_semaphore, #tpu.memory_space<semaphore_mem>>) src(%dma_wait3A_113 : memref<100000x1024xf32, #tpu.memory_space<hbm>>) dst(%arg13 : memref<8x1024xf32, #tpu.memory_space<vmem>>)
      %dma_wait3A_114 = arith.constant 0 : i32
      %dma_wait3A_115 = tpu.memref_slice %arg2[%multiple_of3A, %dma_wait3A_114] : memref<32768x1024xf32, #tpu.memory_space<hbm>> -> memref<8x1024xf32, #tpu.memory_space<hbm>>
      %dma_wait3A_116 = arith.constant 0 : i32
      %dma_wait3A_117 = tpu.memref_slice %arg2[%multiple_of3A, %dma_wait3A_116] : memref<32768x1024xf32, #tpu.memory_space<hbm>> -> memref<8x1024xf32, #tpu.memory_space<hbm>>
      tpu.wait_dma2 semaphore(%arg19 : memref<!tpu.dma_semaphore, #tpu.memory_space<semaphore_mem>>) src(%dma_wait3A_117 : memref<8x1024xf32, #tpu.memory_space<hbm>>) dst(%arg7 : memref<8x1024xf32, #tpu.memory_space<vmem>>)
      %scan3A_118 = arith.constant 0 : i32
      %scan3A_119 = arith.constant 8 : i32
      %scan3A_120 = arith.addi %scan3A_118, %scan3A_119 : i32
      %scan3A_121 = arith.constant 1 : i32
      scf.for %scan3A_283 = %scan3A_118 to %scan3A_120 step %scan3A_121  : i32 {
        %mul3A_284 = arith.constant 1 : i32
        %mul3A_285 = arith.muli %scan3A_283, %mul3A_284 : i32
        %add3A_286 = arith.constant 0 : i32
        %add3A_287 = arith.addi %add3A_286, %mul3A_285 : i32
        %scan3A_288 = arith.constant 0 : i32
        %scan3A_289 = arith.constant 64 : i32
        %scan3A_290 = arith.addi %scan3A_288, %scan3A_289 : i32
        %scan3A_291 = arith.constant 8 : i32
        scf.for %scan3A_293 = %scan3A_288 to %scan3A_290 step %scan3A_291  : i32 {
          %mul3A_294 = arith.constant 1 : i32
          %mul3A_295 = arith.muli %scan3A_293, %mul3A_294 : i32
          %add3A_296 = arith.constant 0 : i32
          %add3A_297 = arith.addi %add3A_296, %mul3A_295 : i32
          %mul3A_298 = arith.constant 16 : i32
          %mul3A_299 = arith.muli %add3A_297, %mul3A_298 : i32
          %multiple_of3A_300 = tpu.assume_multiple %mul3A_299, 16 : i32
          %get3A = arith.index_cast %add3A_287 : i32 to index
          %get3A_301 = arith.index_cast %multiple_of3A_300 : i32 to index
          %get3A_302 = tpu.vector_load %arg7[%get3A, %get3A_301] {strides = array<i32>} : memref<8x1024xf32, #tpu.memory_space<vmem>>, vector<1x16xf32>,
          %get3A_303 = vector.shape_cast %get3A_302 : vector<1x16xf32> to vector<16xf32>
          %swap3A = arith.index_cast %add3A_287 : i32 to index
          %swap3A_304 = arith.index_cast %multiple_of3A_300 : i32 to index
          %swap3A_305 = tpu.vector_load %arg13[%swap3A, %swap3A_304] {strides = array<i32>} : memref<8x1024xf32, #tpu.memory_space<vmem>>, vector<1x16xf32>,
          %swap3A_306 = vector.shape_cast %swap3A_305 : vector<1x16xf32> to vector<16xf32>
          %swap3A_307 = vector.shape_cast %get3A_303 : vector<16xf32> to vector<1x16xf32>
          tpu.vector_store %arg13[%swap3A, %swap3A_304], %swap3A_307 {add = true, strides = array<i32>} : memref<8x1024xf32, #tpu.memory_space<vmem>>, vector<1x16xf32>,
          %scan3A_308 = arith.constant 1 : i32
          %scan3A_309 = arith.addi %scan3A_293, %scan3A_308 : i32
          %mul3A_310 = arith.constant 1 : i32
          %mul3A_311 = arith.muli %scan3A_309, %mul3A_310 : i32
          %add3A_312 = arith.constant 0 : i32
          %add3A_313 = arith.addi %add3A_312, %mul3A_311 : i32
          %mul3A_314 = arith.constant 16 : i32
          %mul3A_315 = arith.muli %add3A_313, %mul3A_314 : i32
          %multiple_of3A_316 = tpu.assume_multiple %mul3A_315, 16 : i32
          %get3A_317 = arith.index_cast %add3A_287 : i32 to index
          %get3A_318 = arith.index_cast %multiple_of3A_316 : i32 to index
          %get3A_319 = tpu.vector_load %arg7[%get3A_317, %get3A_318] {strides = array<i32>} : memref<8x1024xf32, #tpu.memory_space<vmem>>, vector<1x16xf32>,
          %get3A_320 = vector.shape_cast %get3A_319 : vector<1x16xf32> to vector<16xf32>
          %swap3A_321 = arith.index_cast %add3A_287 : i32 to index
          %swap3A_322 = arith.index_cast %multiple_of3A_316 : i32 to index
          %swap3A_323 = tpu.vector_load %arg13[%swap3A_321, %swap3A_322] {strides = array<i32>} : memref<8x1024xf32, #tpu.memory_space<vmem>>, vector<1x16xf32>,
          %swap3A_324 = vector.shape_cast %swap3A_323 : vector<1x16xf32> to vector<16xf32>
          %swap3A_325 = vector.shape_cast %get3A_320 : vector<16xf32> to vector<1x16xf32>
          tpu.vector_store %arg13[%swap3A_321, %swap3A_322], %swap3A_325 {add = true, strides = array<i32>} : memref<8x1024xf32, #tpu.memory_space<vmem>>, vector<1x16xf32>,
          %scan3A_326 = arith.constant 2 : i32
          %scan3A_327 = arith.addi %scan3A_293, %scan3A_326 : i32
          %mul3A_328 = arith.constant 1 : i32
          %mul3A_329 = arith.muli %scan3A_327, %mul3A_328 : i32
          %add3A_330 = arith.constant 0 : i32
          %add3A_331 = arith.addi %add3A_330, %mul3A_329 : i32
          %mul3A_332 = arith.constant 16 : i32
          %mul3A_333 = arith.muli %add3A_331, %mul3A_332 : i32
          %multiple_of3A_334 = tpu.assume_multiple %mul3A_333, 16 : i32
          %get3A_335 = arith.index_cast %add3A_287 : i32 to index
          %get3A_336 = arith.index_cast %multiple_of3A_334 : i32 to index
          %get3A_337 = tpu.vector_load %arg7[%get3A_335, %get3A_336] {strides = array<i32>} : memref<8x1024xf32, #tpu.memory_space<vmem>>, vector<1x16xf32>,
          %get3A_338 = vector.shape_cast %get3A_337 : vector<1x16xf32> to vector<16xf32>
          %swap3A_339 = arith.index_cast %add3A_287 : i32 to index
          %swap3A_340 = arith.index_cast %multiple_of3A_334 : i32 to index
          %swap3A_341 = tpu.vector_load %arg13[%swap3A_339, %swap3A_340] {strides = array<i32>} : memref<8x1024xf32, #tpu.memory_space<vmem>>, vector<1x16xf32>,
          %swap3A_342 = vector.shape_cast %swap3A_341 : vector<1x16xf32> to vector<16xf32>
          %swap3A_343 = vector.shape_cast %get3A_338 : vector<16xf32> to vector<1x16xf32>
          tpu.vector_store %arg13[%swap3A_339, %swap3A_340], %swap3A_343 {add = true, strides = array<i32>} : memref<8x1024xf32, #tpu.memory_space<vmem>>, vector<1x16xf32>,
          %scan3A_344 = arith.constant 3 : i32
          %scan3A_345 = arith.addi %scan3A_293, %scan3A_344 : i32
          %mul3A_346 = arith.constant 1 : i32
          %mul3A_347 = arith.muli %scan3A_345, %mul3A_346 : i32
          %add3A_348 = arith.constant 0 : i32
          %add3A_349 = arith.addi %add3A_348, %mul3A_347 : i32
          %mul3A_350 = arith.constant 16 : i32
          %mul3A_351 = arith.muli %add3A_349, %mul3A_350 : i32
          %multiple_of3A_352 = tpu.assume_multiple %mul3A_351, 16 : i32
          %get3A_353 = arith.index_cast %add3A_287 : i32 to index
          %get3A_354 = arith.index_cast %multiple_of3A_352 : i32 to index
          %get3A_355 = tpu.vector_load %arg7[%get3A_353, %get3A_354] {strides = array<i32>} : memref<8x1024xf32, #tpu.memory_space<vmem>>, vector<1x16xf32>,
          %get3A_356 = vector.shape_cast %get3A_355 : vector<1x16xf32> to vector<16xf32>
          %swap3A_357 = arith.index_cast %add3A_287 : i32 to index
          %swap3A_358 = arith.index_cast %multiple_of3A_352 : i32 to index
          %swap3A_359 = tpu.vector_load %arg13[%swap3A_357, %swap3A_358] {strides = array<i32>} : memref<8x1024xf32, #tpu.memory_space<vmem>>, vector<1x16xf32>,
          %swap3A_360 = vector.shape_cast %swap3A_359 : vector<1x16xf32> to vector<16xf32>
          %swap3A_361 = vector.shape_cast %get3A_356 : vector<16xf32> to vector<1x16xf32>
          tpu.vector_store %arg13[%swap3A_357, %swap3A_358], %swap3A_361 {add = true, strides = array<i32>} : memref<8x1024xf32, #tpu.memory_space<vmem>>, vector<1x16xf32>,
          %scan3A_362 = arith.constant 4 : i32
          %scan3A_363 = arith.addi %scan3A_293, %scan3A_362 : i32
          %mul3A_364 = arith.constant 1 : i32
          %mul3A_365 = arith.muli %scan3A_363, %mul3A_364 : i32
          %add3A_366 = arith.constant 0 : i32
          %add3A_367 = arith.addi %add3A_366, %mul3A_365 : i32
          %mul3A_368 = arith.constant 16 : i32
          %mul3A_369 = arith.muli %add3A_367, %mul3A_368 : i32
          %multiple_of3A_370 = tpu.assume_multiple %mul3A_369, 16 : i32
          %get3A_371 = arith.index_cast %add3A_287 : i32 to index
          %get3A_372 = arith.index_cast %multiple_of3A_370 : i32 to index
          %get3A_373 = tpu.vector_load %arg7[%get3A_371, %get3A_372] {strides = array<i32>} : memref<8x1024xf32, #tpu.memory_space<vmem>>, vector<1x16xf32>,
          %get3A_374 = vector.shape_cast %get3A_373 : vector<1x16xf32> to vector<16xf32>
          %swap3A_375 = arith.index_cast %add3A_287 : i32 to index
          %swap3A_376 = arith.index_cast %multiple_of3A_370 : i32 to index
          %swap3A_377 = tpu.vector_load %arg13[%swap3A_375, %swap3A_376] {strides = array<i32>} : memref<8x1024xf32, #tpu.memory_space<vmem>>, vector<1x16xf32>,
          %swap3A_378 = vector.shape_cast %swap3A_377 : vector<1x16xf32> to vector<16xf32>
          %swap3A_379 = vector.shape_cast %get3A_374 : vector<16xf32> to vector<1x16xf32>
          tpu.vector_store %arg13[%swap3A_375, %swap3A_376], %swap3A_379 {add = true, strides = array<i32>} : memref<8x1024xf32, #tpu.memory_space<vmem>>, vector<1x16xf32>,
          %scan3A_380 = arith.constant 5 : i32
          %scan3A_381 = arith.addi %scan3A_293, %scan3A_380 : i32
          %mul3A_382 = arith.constant 1 : i32
          %mul3A_383 = arith.muli %scan3A_381, %mul3A_382 : i32
          %add3A_384 = arith.constant 0 : i32
          %add3A_385 = arith.addi %add3A_384, %mul3A_383 : i32
          %mul3A_386 = arith.constant 16 : i32
          %mul3A_387 = arith.muli %add3A_385, %mul3A_386 : i32
          %multiple_of3A_388 = tpu.assume_multiple %mul3A_387, 16 : i32
          %get3A_389 = arith.index_cast %add3A_287 : i32 to index
          %get3A_390 = arith.index_cast %multiple_of3A_388 : i32 to index
          %get3A_391 = tpu.vector_load %arg7[%get3A_389, %get3A_390] {strides = array<i32>} : memref<8x1024xf32, #tpu.memory_space<vmem>>, vector<1x16xf32>,
          %get3A_392 = vector.shape_cast %get3A_391 : vector<1x16xf32> to vector<16xf32>
          %swap3A_393 = arith.index_cast %add3A_287 : i32 to index
          %swap3A_394 = arith.index_cast %multiple_of3A_388 : i32 to index
          %swap3A_395 = tpu.vector_load %arg13[%swap3A_393, %swap3A_394] {strides = array<i32>} : memref<8x1024xf32, #tpu.memory_space<vmem>>, vector<1x16xf32>,
          %swap3A_396 = vector.shape_cast %swap3A_395 : vector<1x16xf32> to vector<16xf32>
          %swap3A_397 = vector.shape_cast %get3A_392 : vector<16xf32> to vector<1x16xf32>
          tpu.vector_store %arg13[%swap3A_393, %swap3A_394], %swap3A_397 {add = true, strides = array<i32>} : memref<8x1024xf32, #tpu.memory_space<vmem>>, vector<1x16xf32>,
          %scan3A_398 = arith.constant 6 : i32
          %scan3A_399 = arith.addi %scan3A_293, %scan3A_398 : i32
          %mul3A_400 = arith.constant 1 : i32
          %mul3A_401 = arith.muli %scan3A_399, %mul3A_400 : i32
          %add3A_402 = arith.constant 0 : i32
          %add3A_403 = arith.addi %add3A_402, %mul3A_401 : i32
          %mul3A_404 = arith.constant 16 : i32
          %mul3A_405 = arith.muli %add3A_403, %mul3A_404 : i32
          %multiple_of3A_406 = tpu.assume_multiple %mul3A_405, 16 : i32
          %get3A_407 = arith.index_cast %add3A_287 : i32 to index
          %get3A_408 = arith.index_cast %multiple_of3A_406 : i32 to index
          %get3A_409 = tpu.vector_load %arg7[%get3A_407, %get3A_408] {strides = array<i32>} : memref<8x1024xf32, #tpu.memory_space<vmem>>, vector<1x16xf32>,
          %get3A_410 = vector.shape_cast %get3A_409 : vector<1x16xf32> to vector<16xf32>
          %swap3A_411 = arith.index_cast %add3A_287 : i32 to index
          %swap3A_412 = arith.index_cast %multiple_of3A_406 : i32 to index
          %swap3A_413 = tpu.vector_load %arg13[%swap3A_411, %swap3A_412] {strides = array<i32>} : memref<8x1024xf32, #tpu.memory_space<vmem>>, vector<1x16xf32>,
          %swap3A_414 = vector.shape_cast %swap3A_413 : vector<1x16xf32> to vector<16xf32>
          %swap3A_415 = vector.shape_cast %get3A_410 : vector<16xf32> to vector<1x16xf32>
          tpu.vector_store %arg13[%swap3A_411, %swap3A_412], %swap3A_415 {add = true, strides = array<i32>} : memref<8x1024xf32, #tpu.memory_space<vmem>>, vector<1x16xf32>,
          %scan3A_416 = arith.constant 7 : i32
          %scan3A_417 = arith.addi %scan3A_293, %scan3A_416 : i32
          %mul3A_418 = arith.constant 1 : i32
          %mul3A_419 = arith.muli %scan3A_417, %mul3A_418 : i32
          %add3A_420 = arith.constant 0 : i32
          %add3A_421 = arith.addi %add3A_420, %mul3A_419 : i32
          %mul3A_422 = arith.constant 16 : i32
          %mul3A_423 = arith.muli %add3A_421, %mul3A_422 : i32
          %multiple_of3A_424 = tpu.assume_multiple %mul3A_423, 16 : i32
          %get3A_425 = arith.index_cast %add3A_287 : i32 to index
          %get3A_426 = arith.index_cast %multiple_of3A_424 : i32 to index
          %get3A_427 = tpu.vector_load %arg7[%get3A_425, %get3A_426] {strides = array<i32>} : memref<8x1024xf32, #tpu.memory_space<vmem>>, vector<1x16xf32>,
          %get3A_428 = vector.shape_cast %get3A_427 : vector<1x16xf32> to vector<16xf32>
          %swap3A_429 = arith.index_cast %add3A_287 : i32 to index
          %swap3A_430 = arith.index_cast %multiple_of3A_424 : i32 to index
          %swap3A_431 = tpu.vector_load %arg13[%swap3A_429, %swap3A_430] {strides = array<i32>} : memref<8x1024xf32, #tpu.memory_space<vmem>>, vector<1x16xf32>,
          %swap3A_432 = vector.shape_cast %swap3A_431 : vector<1x16xf32> to vector<16xf32>
          %swap3A_433 = vector.shape_cast %get3A_428 : vector<16xf32> to vector<1x16xf32>
          tpu.vector_store %arg13[%swap3A_429, %swap3A_430], %swap3A_433 {add = true, strides = array<i32>} : memref<8x1024xf32, #tpu.memory_space<vmem>>, vector<1x16xf32>,
        }
        %scan3A_292 = arith.constant 64 : i32
      }
      %scan3A_122 = arith.constant 8 : i32
      %mul3A_123 = arith.constant 6 : i32
      %mul3A_124 = arith.muli %add3A_87, %mul3A_123 : i32
      %add3A_125 = arith.constant 1 : i32
      %add3A_126 = arith.addi %mul3A_124, %add3A_125 : i32
      %add3A_127 = arith.constant 3 : i32
      %add3A_128 = arith.addi %add3A_126, %add3A_127 : i32
      %mul3A_129 = arith.constant 8 : i32
      %mul3A_130 = arith.muli %add3A_128, %mul3A_129 : i32
      %multiple_of3A_131 = tpu.assume_multiple %mul3A_130, 8 : i32
      %mul3A_132 = arith.constant 8 : i32
      %mul3A_133 = arith.muli %add3A_128, %mul3A_132 : i32
      %add3A_134 = arith.addi %multiple_of3A, %mul3A_133 : i32
      %multiple_of3A_135 = tpu.assume_multiple %add3A_134, 8 : i32
      %dma_start3A_136 = tpu.memref_slice %arg6[%multiple_of3A_131] : memref<1024xi32, #tpu.memory_space<vmem>> -> memref<8xi32, #tpu.memory_space<vmem>>
      %dma_start3A_137 = arith.constant 0 : i32
      %dma_start3A_138 = arith.constant 0 : i32
      %dma_start3A_139 = tpu.memref_slice %arg4[%dma_start3A_137, %dma_start3A_138] : memref<100000x1024xf32, #tpu.memory_space<hbm>> -> memref<100000x1024xf32, #tpu.memory_space<hbm>>
      tpu.enqueue_indirect_dma source(%dma_start3A_139 : memref<100000x1024xf32, #tpu.memory_space<hbm>>) target(%arg17 : memref<8x1024xf32, #tpu.memory_space<vmem>>) offsets(%dma_start3A_136 : memref<8xi32, #tpu.memory_space<vmem>>) semaphore(%arg23 : memref<!tpu.dma_semaphore, #tpu.memory_space<semaphore_mem>>)
      %dma_start3A_140 = arith.constant 0 : i32
      %dma_start3A_141 = tpu.memref_slice %arg2[%multiple_of3A_135, %dma_start3A_140] : memref<32768x1024xf32, #tpu.memory_space<hbm>> -> memref<8x1024xf32, #tpu.memory_space<hbm>>
      %dma_start3A_142 = arith.constant 0 : i32
      %dma_start3A_143 = tpu.memref_slice %arg2[%multiple_of3A_135, %dma_start3A_142] : memref<32768x1024xf32, #tpu.memory_space<hbm>> -> memref<8x1024xf32, #tpu.memory_space<hbm>>
      tpu.enqueue_dma source(%dma_start3A_143 : memref<8x1024xf32, #tpu.memory_space<hbm>>) target(%arg11 : memref<8x1024xf32, #tpu.memory_space<vmem>>) target_semaphore(%arg23 : memref<!tpu.dma_semaphore, #tpu.memory_space<semaphore_mem>>)
      %dma_wait3A_144 = arith.constant 0 : i32
      %dma_wait3A_145 = tpu.memref_slice %arg6[%dma_wait3A_144] : memref<1024xi32, #tpu.memory_space<vmem>> -> memref<8xi32, #tpu.memory_space<vmem>>
      %dma_wait3A_146 = arith.constant 0 : i32
      %dma_wait3A_147 = arith.constant 0 : i32
      %dma_wait3A_148 = tpu.memref_slice %arg4[%dma_wait3A_146, %dma_wait3A_147] : memref<100000x1024xf32, #tpu.memory_space<hbm>> -> memref<100000x1024xf32, #tpu.memory_space<hbm>>
      tpu.wait_indirect_dma semaphore(%arg20 : memref<!tpu.dma_semaphore, #tpu.memory_space<semaphore_mem>>) src(%dma_wait3A_148 : memref<100000x1024xf32, #tpu.memory_space<hbm>>) dst(%arg14 : memref<8x1024xf32, #tpu.memory_space<vmem>>)
      %dma_wait3A_149 = arith.constant 0 : i32
      %dma_wait3A_150 = tpu.memref_slice %arg2[%multiple_of3A, %dma_wait3A_149] : memref<32768x1024xf32, #tpu.memory_space<hbm>> -> memref<8x1024xf32, #tpu.memory_space<hbm>>
      %dma_wait3A_151 = arith.constant 0 : i32
      %dma_wait3A_152 = tpu.memref_slice %arg2[%multiple_of3A, %dma_wait3A_151] : memref<32768x1024xf32, #tpu.memory_space<hbm>> -> memref<8x1024xf32, #tpu.memory_space<hbm>>
      tpu.wait_dma2 semaphore(%arg20 : memref<!tpu.dma_semaphore, #tpu.memory_space<semaphore_mem>>) src(%dma_wait3A_152 : memref<8x1024xf32, #tpu.memory_space<hbm>>) dst(%arg8 : memref<8x1024xf32, #tpu.memory_space<vmem>>)
      %scan3A_153 = arith.constant 0 : i32
      %scan3A_154 = arith.constant 8 : i32
      %scan3A_155 = arith.addi %scan3A_153, %scan3A_154 : i32
      %scan3A_156 = arith.constant 1 : i32
      scf.for %scan3A_283 = %scan3A_153 to %scan3A_155 step %scan3A_156  : i32 {
        %mul3A_284 = arith.constant 1 : i32
        %mul3A_285 = arith.muli %scan3A_283, %mul3A_284 : i32
        %add3A_286 = arith.constant 0 : i32
        %add3A_287 = arith.addi %add3A_286, %mul3A_285 : i32
        %scan3A_288 = arith.constant 0 : i32
        %scan3A_289 = arith.constant 64 : i32
        %scan3A_290 = arith.addi %scan3A_288, %scan3A_289 : i32
        %scan3A_291 = arith.constant 8 : i32
        scf.for %scan3A_293 = %scan3A_288 to %scan3A_290 step %scan3A_291  : i32 {
          %mul3A_294 = arith.constant 1 : i32
          %mul3A_295 = arith.muli %scan3A_293, %mul3A_294 : i32
          %add3A_296 = arith.constant 0 : i32
          %add3A_297 = arith.addi %add3A_296, %mul3A_295 : i32
          %mul3A_298 = arith.constant 16 : i32
          %mul3A_299 = arith.muli %add3A_297, %mul3A_298 : i32
          %multiple_of3A_300 = tpu.assume_multiple %mul3A_299, 16 : i32
          %get3A = arith.index_cast %add3A_287 : i32 to index
          %get3A_301 = arith.index_cast %multiple_of3A_300 : i32 to index
          %get3A_302 = tpu.vector_load %arg8[%get3A, %get3A_301] {strides = array<i32>} : memref<8x1024xf32, #tpu.memory_space<vmem>>, vector<1x16xf32>,
          %get3A_303 = vector.shape_cast %get3A_302 : vector<1x16xf32> to vector<16xf32>
          %swap3A = arith.index_cast %add3A_287 : i32 to index
          %swap3A_304 = arith.index_cast %multiple_of3A_300 : i32 to index
          %swap3A_305 = tpu.vector_load %arg14[%swap3A, %swap3A_304] {strides = array<i32>} : memref<8x1024xf32, #tpu.memory_space<vmem>>, vector<1x16xf32>,
          %swap3A_306 = vector.shape_cast %swap3A_305 : vector<1x16xf32> to vector<16xf32>
          %swap3A_307 = vector.shape_cast %get3A_303 : vector<16xf32> to vector<1x16xf32>
          tpu.vector_store %arg14[%swap3A, %swap3A_304], %swap3A_307 {add = true, strides = array<i32>} : memref<8x1024xf32, #tpu.memory_space<vmem>>, vector<1x16xf32>,
          %scan3A_308 = arith.constant 1 : i32
          %scan3A_309 = arith.addi %scan3A_293, %scan3A_308 : i32
          %mul3A_310 = arith.constant 1 : i32
          %mul3A_311 = arith.muli %scan3A_309, %mul3A_310 : i32
          %add3A_312 = arith.constant 0 : i32
          %add3A_313 = arith.addi %add3A_312, %mul3A_311 : i32
          %mul3A_314 = arith.constant 16 : i32
          %mul3A_315 = arith.muli %add3A_313, %mul3A_314 : i32
          %multiple_of3A_316 = tpu.assume_multiple %mul3A_315, 16 : i32
          %get3A_317 = arith.index_cast %add3A_287 : i32 to index
          %get3A_318 = arith.index_cast %multiple_of3A_316 : i32 to index
          %get3A_319 = tpu.vector_load %arg8[%get3A_317, %get3A_318] {strides = array<i32>} : memref<8x1024xf32, #tpu.memory_space<vmem>>, vector<1x16xf32>,
          %get3A_320 = vector.shape_cast %get3A_319 : vector<1x16xf32> to vector<16xf32>
          %swap3A_321 = arith.index_cast %add3A_287 : i32 to index
          %swap3A_322 = arith.index_cast %multiple_of3A_316 : i32 to index
          %swap3A_323 = tpu.vector_load %arg14[%swap3A_321, %swap3A_322] {strides = array<i32>} : memref<8x1024xf32, #tpu.memory_space<vmem>>, vector<1x16xf32>,
          %swap3A_324 = vector.shape_cast %swap3A_323 : vector<1x16xf32> to vector<16xf32>
          %swap3A_325 = vector.shape_cast %get3A_320 : vector<16xf32> to vector<1x16xf32>
          tpu.vector_store %arg14[%swap3A_321, %swap3A_322], %swap3A_325 {add = true, strides = array<i32>} : memref<8x1024xf32, #tpu.memory_space<vmem>>, vector<1x16xf32>,
          %scan3A_326 = arith.constant 2 : i32
          %scan3A_327 = arith.addi %scan3A_293, %scan3A_326 : i32
          %mul3A_328 = arith.constant 1 : i32
          %mul3A_329 = arith.muli %scan3A_327, %mul3A_328 : i32
          %add3A_330 = arith.constant 0 : i32
          %add3A_331 = arith.addi %add3A_330, %mul3A_329 : i32
          %mul3A_332 = arith.constant 16 : i32
          %mul3A_333 = arith.muli %add3A_331, %mul3A_332 : i32
          %multiple_of3A_334 = tpu.assume_multiple %mul3A_333, 16 : i32
          %get3A_335 = arith.index_cast %add3A_287 : i32 to index
          %get3A_336 = arith.index_cast %multiple_of3A_334 : i32 to index
          %get3A_337 = tpu.vector_load %arg8[%get3A_335, %get3A_336] {strides = array<i32>} : memref<8x1024xf32, #tpu.memory_space<vmem>>, vector<1x16xf32>,
          %get3A_338 = vector.shape_cast %get3A_337 : vector<1x16xf32> to vector<16xf32>
          %swap3A_339 = arith.index_cast %add3A_287 : i32 to index
          %swap3A_340 = arith.index_cast %multiple_of3A_334 : i32 to index
          %swap3A_341 = tpu.vector_load %arg14[%swap3A_339, %swap3A_340] {strides = array<i32>} : memref<8x1024xf32, #tpu.memory_space<vmem>>, vector<1x16xf32>,
          %swap3A_342 = vector.shape_cast %swap3A_341 : vector<1x16xf32> to vector<16xf32>
          %swap3A_343 = vector.shape_cast %get3A_338 : vector<16xf32> to vector<1x16xf32>
          tpu.vector_store %arg14[%swap3A_339, %swap3A_340], %swap3A_343 {add = true, strides = array<i32>} : memref<8x1024xf32, #tpu.memory_space<vmem>>, vector<1x16xf32>,
          %scan3A_344 = arith.constant 3 : i32
          %scan3A_345 = arith.addi %scan3A_293, %scan3A_344 : i32
          %mul3A_346 = arith.constant 1 : i32
          %mul3A_347 = arith.muli %scan3A_345, %mul3A_346 : i32
          %add3A_348 = arith.constant 0 : i32
          %add3A_349 = arith.addi %add3A_348, %mul3A_347 : i32
          %mul3A_350 = arith.constant 16 : i32
          %mul3A_351 = arith.muli %add3A_349, %mul3A_350 : i32
          %multiple_of3A_352 = tpu.assume_multiple %mul3A_351, 16 : i32
          %get3A_353 = arith.index_cast %add3A_287 : i32 to index
          %get3A_354 = arith.index_cast %multiple_of3A_352 : i32 to index
          %get3A_355 = tpu.vector_load %arg8[%get3A_353, %get3A_354] {strides = array<i32>} : memref<8x1024xf32, #tpu.memory_space<vmem>>, vector<1x16xf32>,
          %get3A_356 = vector.shape_cast %get3A_355 : vector<1x16xf32> to vector<16xf32>
          %swap3A_357 = arith.index_cast %add3A_287 : i32 to index
          %swap3A_358 = arith.index_cast %multiple_of3A_352 : i32 to index
          %swap3A_359 = tpu.vector_load %arg14[%swap3A_357, %swap3A_358] {strides = array<i32>} : memref<8x1024xf32, #tpu.memory_space<vmem>>, vector<1x16xf32>,
          %swap3A_360 = vector.shape_cast %swap3A_359 : vector<1x16xf32> to vector<16xf32>
          %swap3A_361 = vector.shape_cast %get3A_356 : vector<16xf32> to vector<1x16xf32>
          tpu.vector_store %arg14[%swap3A_357, %swap3A_358], %swap3A_361 {add = true, strides = array<i32>} : memref<8x1024xf32, #tpu.memory_space<vmem>>, vector<1x16xf32>,
          %scan3A_362 = arith.constant 4 : i32
          %scan3A_363 = arith.addi %scan3A_293, %scan3A_362 : i32
          %mul3A_364 = arith.constant 1 : i32
          %mul3A_365 = arith.muli %scan3A_363, %mul3A_364 : i32
          %add3A_366 = arith.constant 0 : i32
          %add3A_367 = arith.addi %add3A_366, %mul3A_365 : i32
          %mul3A_368 = arith.constant 16 : i32
          %mul3A_369 = arith.muli %add3A_367, %mul3A_368 : i32
          %multiple_of3A_370 = tpu.assume_multiple %mul3A_369, 16 : i32
          %get3A_371 = arith.index_cast %add3A_287 : i32 to index
          %get3A_372 = arith.index_cast %multiple_of3A_370 : i32 to index
          %get3A_373 = tpu.vector_load %arg8[%get3A_371, %get3A_372] {strides = array<i32>} : memref<8x1024xf32, #tpu.memory_space<vmem>>, vector<1x16xf32>,
          %get3A_374 = vector.shape_cast %get3A_373 : vector<1x16xf32> to vector<16xf32>
          %swap3A_375 = arith.index_cast %add3A_287 : i32 to index
          %swap3A_376 = arith.index_cast %multiple_of3A_370 : i32 to index
          %swap3A_377 = tpu.vector_load %arg14[%swap3A_375, %swap3A_376] {strides = array<i32>} : memref<8x1024xf32, #tpu.memory_space<vmem>>, vector<1x16xf32>,
          %swap3A_378 = vector.shape_cast %swap3A_377 : vector<1x16xf32> to vector<16xf32>
          %swap3A_379 = vector.shape_cast %get3A_374 : vector<16xf32> to vector<1x16xf32>
          tpu.vector_store %arg14[%swap3A_375, %swap3A_376], %swap3A_379 {add = true, strides = array<i32>} : memref<8x1024xf32, #tpu.memory_space<vmem>>, vector<1x16xf32>,
          %scan3A_380 = arith.constant 5 : i32
          %scan3A_381 = arith.addi %scan3A_293, %scan3A_380 : i32
          %mul3A_382 = arith.constant 1 : i32
          %mul3A_383 = arith.muli %scan3A_381, %mul3A_382 : i32
          %add3A_384 = arith.constant 0 : i32
          %add3A_385 = arith.addi %add3A_384, %mul3A_383 : i32
          %mul3A_386 = arith.constant 16 : i32
          %mul3A_387 = arith.muli %add3A_385, %mul3A_386 : i32
          %multiple_of3A_388 = tpu.assume_multiple %mul3A_387, 16 : i32
          %get3A_389 = arith.index_cast %add3A_287 : i32 to index
          %get3A_390 = arith.index_cast %multiple_of3A_388 : i32 to index
          %get3A_391 = tpu.vector_load %arg8[%get3A_389, %get3A_390] {strides = array<i32>} : memref<8x1024xf32, #tpu.memory_space<vmem>>, vector<1x16xf32>,
          %get3A_392 = vector.shape_cast %get3A_391 : vector<1x16xf32> to vector<16xf32>
          %swap3A_393 = arith.index_cast %add3A_287 : i32 to index
          %swap3A_394 = arith.index_cast %multiple_of3A_388 : i32 to index
          %swap3A_395 = tpu.vector_load %arg14[%swap3A_393, %swap3A_394] {strides = array<i32>} : memref<8x1024xf32, #tpu.memory_space<vmem>>, vector<1x16xf32>,
          %swap3A_396 = vector.shape_cast %swap3A_395 : vector<1x16xf32> to vector<16xf32>
          %swap3A_397 = vector.shape_cast %get3A_392 : vector<16xf32> to vector<1x16xf32>
          tpu.vector_store %arg14[%swap3A_393, %swap3A_394], %swap3A_397 {add = true, strides = array<i32>} : memref<8x1024xf32, #tpu.memory_space<vmem>>, vector<1x16xf32>,
          %scan3A_398 = arith.constant 6 : i32
          %scan3A_399 = arith.addi %scan3A_293, %scan3A_398 : i32
          %mul3A_400 = arith.constant 1 : i32
          %mul3A_401 = arith.muli %scan3A_399, %mul3A_400 : i32
          %add3A_402 = arith.constant 0 : i32
          %add3A_403 = arith.addi %add3A_402, %mul3A_401 : i32
          %mul3A_404 = arith.constant 16 : i32
          %mul3A_405 = arith.muli %add3A_403, %mul3A_404 : i32
          %multiple_of3A_406 = tpu.assume_multiple %mul3A_405, 16 : i32
          %get3A_407 = arith.index_cast %add3A_287 : i32 to index
          %get3A_408 = arith.index_cast %multiple_of3A_406 : i32 to index
          %get3A_409 = tpu.vector_load %arg8[%get3A_407, %get3A_408] {strides = array<i32>} : memref<8x1024xf32, #tpu.memory_space<vmem>>, vector<1x16xf32>,
          %get3A_410 = vector.shape_cast %get3A_409 : vector<1x16xf32> to vector<16xf32>
          %swap3A_411 = arith.index_cast %add3A_287 : i32 to index
          %swap3A_412 = arith.index_cast %multiple_of3A_406 : i32 to index
          %swap3A_413 = tpu.vector_load %arg14[%swap3A_411, %swap3A_412] {strides = array<i32>} : memref<8x1024xf32, #tpu.memory_space<vmem>>, vector<1x16xf32>,
          %swap3A_414 = vector.shape_cast %swap3A_413 : vector<1x16xf32> to vector<16xf32>
          %swap3A_415 = vector.shape_cast %get3A_410 : vector<16xf32> to vector<1x16xf32>
          tpu.vector_store %arg14[%swap3A_411, %swap3A_412], %swap3A_415 {add = true, strides = array<i32>} : memref<8x1024xf32, #tpu.memory_space<vmem>>, vector<1x16xf32>,
          %scan3A_416 = arith.constant 7 : i32
          %scan3A_417 = arith.addi %scan3A_293, %scan3A_416 : i32
          %mul3A_418 = arith.constant 1 : i32
          %mul3A_419 = arith.muli %scan3A_417, %mul3A_418 : i32
          %add3A_420 = arith.constant 0 : i32
          %add3A_421 = arith.addi %add3A_420, %mul3A_419 : i32
          %mul3A_422 = arith.constant 16 : i32
          %mul3A_423 = arith.muli %add3A_421, %mul3A_422 : i32
          %multiple_of3A_424 = tpu.assume_multiple %mul3A_423, 16 : i32
          %get3A_425 = arith.index_cast %add3A_287 : i32 to index
          %get3A_426 = arith.index_cast %multiple_of3A_424 : i32 to index
          %get3A_427 = tpu.vector_load %arg8[%get3A_425, %get3A_426] {strides = array<i32>} : memref<8x1024xf32, #tpu.memory_space<vmem>>, vector<1x16xf32>,
          %get3A_428 = vector.shape_cast %get3A_427 : vector<1x16xf32> to vector<16xf32>
          %swap3A_429 = arith.index_cast %add3A_287 : i32 to index
          %swap3A_430 = arith.index_cast %multiple_of3A_424 : i32 to index
          %swap3A_431 = tpu.vector_load %arg14[%swap3A_429, %swap3A_430] {strides = array<i32>} : memref<8x1024xf32, #tpu.memory_space<vmem>>, vector<1x16xf32>,
          %swap3A_432 = vector.shape_cast %swap3A_431 : vector<1x16xf32> to vector<16xf32>
          %swap3A_433 = vector.shape_cast %get3A_428 : vector<16xf32> to vector<1x16xf32>
          tpu.vector_store %arg14[%swap3A_429, %swap3A_430], %swap3A_433 {add = true, strides = array<i32>} : memref<8x1024xf32, #tpu.memory_space<vmem>>, vector<1x16xf32>,
        }
        %scan3A_292 = arith.constant 64 : i32
      }
      %scan3A_157 = arith.constant 8 : i32
      %mul3A_158 = arith.constant 6 : i32
      %mul3A_159 = arith.muli %add3A_87, %mul3A_158 : i32
      %add3A_160 = arith.constant 2 : i32
      %add3A_161 = arith.addi %mul3A_159, %add3A_160 : i32
      %add3A_162 = arith.constant 3 : i32
      %add3A_163 = arith.addi %add3A_161, %add3A_162 : i32
      %mul3A_164 = arith.constant 8 : i32
      %mul3A_165 = arith.muli %add3A_163, %mul3A_164 : i32
      %multiple_of3A_166 = tpu.assume_multiple %mul3A_165, 8 : i32
      %mul3A_167 = arith.constant 8 : i32
      %mul3A_168 = arith.muli %add3A_163, %mul3A_167 : i32
      %add3A_169 = arith.addi %multiple_of3A, %mul3A_168 : i32
      %multiple_of3A_170 = tpu.assume_multiple %add3A_169, 8 : i32
      %dma_start3A_171 = tpu.memref_slice %arg6[%multiple_of3A_166] : memref<1024xi32, #tpu.memory_space<vmem>> -> memref<8xi32, #tpu.memory_space<vmem>>
      %dma_start3A_172 = arith.constant 0 : i32
      %dma_start3A_173 = arith.constant 0 : i32
      %dma_start3A_174 = tpu.memref_slice %arg4[%dma_start3A_172, %dma_start3A_173] : memref<100000x1024xf32, #tpu.memory_space<hbm>> -> memref<100000x1024xf32, #tpu.memory_space<hbm>>
      tpu.enqueue_indirect_dma source(%dma_start3A_174 : memref<100000x1024xf32, #tpu.memory_space<hbm>>) target(%arg18 : memref<8x1024xf32, #tpu.memory_space<vmem>>) offsets(%dma_start3A_171 : memref<8xi32, #tpu.memory_space<vmem>>) semaphore(%arg24 : memref<!tpu.dma_semaphore, #tpu.memory_space<semaphore_mem>>)
      %dma_start3A_175 = arith.constant 0 : i32
      %dma_start3A_176 = tpu.memref_slice %arg2[%multiple_of3A_170, %dma_start3A_175] : memref<32768x1024xf32, #tpu.memory_space<hbm>> -> memref<8x1024xf32, #tpu.memory_space<hbm>>
      %dma_start3A_177 = arith.constant 0 : i32
      %dma_start3A_178 = tpu.memref_slice %arg2[%multiple_of3A_170, %dma_start3A_177] : memref<32768x1024xf32, #tpu.memory_space<hbm>> -> memref<8x1024xf32, #tpu.memory_space<hbm>>
      tpu.enqueue_dma source(%dma_start3A_178 : memref<8x1024xf32, #tpu.memory_space<hbm>>) target(%arg12 : memref<8x1024xf32, #tpu.memory_space<vmem>>) target_semaphore(%arg24 : memref<!tpu.dma_semaphore, #tpu.memory_space<semaphore_mem>>)
      %dma_wait3A_179 = arith.constant 0 : i32
      %dma_wait3A_180 = tpu.memref_slice %arg6[%dma_wait3A_179] : memref<1024xi32, #tpu.memory_space<vmem>> -> memref<8xi32, #tpu.memory_space<vmem>>
      %dma_wait3A_181 = arith.constant 0 : i32
      %dma_wait3A_182 = arith.constant 0 : i32
      %dma_wait3A_183 = tpu.memref_slice %arg4[%dma_wait3A_181, %dma_wait3A_182] : memref<100000x1024xf32, #tpu.memory_space<hbm>> -> memref<100000x1024xf32, #tpu.memory_space<hbm>>
      tpu.wait_indirect_dma semaphore(%arg21 : memref<!tpu.dma_semaphore, #tpu.memory_space<semaphore_mem>>) src(%dma_wait3A_183 : memref<100000x1024xf32, #tpu.memory_space<hbm>>) dst(%arg15 : memref<8x1024xf32, #tpu.memory_space<vmem>>)
      %dma_wait3A_184 = arith.constant 0 : i32
      %dma_wait3A_185 = tpu.memref_slice %arg2[%multiple_of3A, %dma_wait3A_184] : memref<32768x1024xf32, #tpu.memory_space<hbm>> -> memref<8x1024xf32, #tpu.memory_space<hbm>>
      %dma_wait3A_186 = arith.constant 0 : i32
      %dma_wait3A_187 = tpu.memref_slice %arg2[%multiple_of3A, %dma_wait3A_186] : memref<32768x1024xf32, #tpu.memory_space<hbm>> -> memref<8x1024xf32, #tpu.memory_space<hbm>>
      tpu.wait_dma2 semaphore(%arg21 : memref<!tpu.dma_semaphore, #tpu.memory_space<semaphore_mem>>) src(%dma_wait3A_187 : memref<8x1024xf32, #tpu.memory_space<hbm>>) dst(%arg9 : memref<8x1024xf32, #tpu.memory_space<vmem>>)
      %scan3A_188 = arith.constant 0 : i32
      %scan3A_189 = arith.constant 8 : i32
      %scan3A_190 = arith.addi %scan3A_188, %scan3A_189 : i32
      %scan3A_191 = arith.constant 1 : i32
      scf.for %scan3A_283 = %scan3A_188 to %scan3A_190 step %scan3A_191  : i32 {
        %mul3A_284 = arith.constant 1 : i32
        %mul3A_285 = arith.muli %scan3A_283, %mul3A_284 : i32
        %add3A_286 = arith.constant 0 : i32
        %add3A_287 = arith.addi %add3A_286, %mul3A_285 : i32
        %scan3A_288 = arith.constant 0 : i32
        %scan3A_289 = arith.constant 64 : i32
        %scan3A_290 = arith.addi %scan3A_288, %scan3A_289 : i32
        %scan3A_291 = arith.constant 8 : i32
        scf.for %scan3A_293 = %scan3A_288 to %scan3A_290 step %scan3A_291  : i32 {
          %mul3A_294 = arith.constant 1 : i32
          %mul3A_295 = arith.muli %scan3A_293, %mul3A_294 : i32
          %add3A_296 = arith.constant 0 : i32
          %add3A_297 = arith.addi %add3A_296, %mul3A_295 : i32
          %mul3A_298 = arith.constant 16 : i32
          %mul3A_299 = arith.muli %add3A_297, %mul3A_298 : i32
          %multiple_of3A_300 = tpu.assume_multiple %mul3A_299, 16 : i32
          %get3A = arith.index_cast %add3A_287 : i32 to index
          %get3A_301 = arith.index_cast %multiple_of3A_300 : i32 to index
          %get3A_302 = tpu.vector_load %arg9[%get3A, %get3A_301] {strides = array<i32>} : memref<8x1024xf32, #tpu.memory_space<vmem>>, vector<1x16xf32>,
          %get3A_303 = vector.shape_cast %get3A_302 : vector<1x16xf32> to vector<16xf32>
          %swap3A = arith.index_cast %add3A_287 : i32 to index
          %swap3A_304 = arith.index_cast %multiple_of3A_300 : i32 to index
          %swap3A_305 = tpu.vector_load %arg15[%swap3A, %swap3A_304] {strides = array<i32>} : memref<8x1024xf32, #tpu.memory_space<vmem>>, vector<1x16xf32>,
          %swap3A_306 = vector.shape_cast %swap3A_305 : vector<1x16xf32> to vector<16xf32>
          %swap3A_307 = vector.shape_cast %get3A_303 : vector<16xf32> to vector<1x16xf32>
          tpu.vector_store %arg15[%swap3A, %swap3A_304], %swap3A_307 {add = true, strides = array<i32>} : memref<8x1024xf32, #tpu.memory_space<vmem>>, vector<1x16xf32>,
          %scan3A_308 = arith.constant 1 : i32
          %scan3A_309 = arith.addi %scan3A_293, %scan3A_308 : i32
          %mul3A_310 = arith.constant 1 : i32
          %mul3A_311 = arith.muli %scan3A_309, %mul3A_310 : i32
          %add3A_312 = arith.constant 0 : i32
          %add3A_313 = arith.addi %add3A_312, %mul3A_311 : i32
          %mul3A_314 = arith.constant 16 : i32
          %mul3A_315 = arith.muli %add3A_313, %mul3A_314 : i32
          %multiple_of3A_316 = tpu.assume_multiple %mul3A_315, 16 : i32
          %get3A_317 = arith.index_cast %add3A_287 : i32 to index
          %get3A_318 = arith.index_cast %multiple_of3A_316 : i32 to index
          %get3A_319 = tpu.vector_load %arg9[%get3A_317, %get3A_318] {strides = array<i32>} : memref<8x1024xf32, #tpu.memory_space<vmem>>, vector<1x16xf32>,
          %get3A_320 = vector.shape_cast %get3A_319 : vector<1x16xf32> to vector<16xf32>
          %swap3A_321 = arith.index_cast %add3A_287 : i32 to index
          %swap3A_322 = arith.index_cast %multiple_of3A_316 : i32 to index
          %swap3A_323 = tpu.vector_load %arg15[%swap3A_321, %swap3A_322] {strides = array<i32>} : memref<8x1024xf32, #tpu.memory_space<vmem>>, vector<1x16xf32>,
          %swap3A_324 = vector.shape_cast %swap3A_323 : vector<1x16xf32> to vector<16xf32>
          %swap3A_325 = vector.shape_cast %get3A_320 : vector<16xf32> to vector<1x16xf32>
          tpu.vector_store %arg15[%swap3A_321, %swap3A_322], %swap3A_325 {add = true, strides = array<i32>} : memref<8x1024xf32, #tpu.memory_space<vmem>>, vector<1x16xf32>,
          %scan3A_326 = arith.constant 2 : i32
          %scan3A_327 = arith.addi %scan3A_293, %scan3A_326 : i32
          %mul3A_328 = arith.constant 1 : i32
          %mul3A_329 = arith.muli %scan3A_327, %mul3A_328 : i32
          %add3A_330 = arith.constant 0 : i32
          %add3A_331 = arith.addi %add3A_330, %mul3A_329 : i32
          %mul3A_332 = arith.constant 16 : i32
          %mul3A_333 = arith.muli %add3A_331, %mul3A_332 : i32
          %multiple_of3A_334 = tpu.assume_multiple %mul3A_333, 16 : i32
          %get3A_335 = arith.index_cast %add3A_287 : i32 to index
          %get3A_336 = arith.index_cast %multiple_of3A_334 : i32 to index
          %get3A_337 = tpu.vector_load %arg9[%get3A_335, %get3A_336] {strides = array<i32>} : memref<8x1024xf32, #tpu.memory_space<vmem>>, vector<1x16xf32>,
          %get3A_338 = vector.shape_cast %get3A_337 : vector<1x16xf32> to vector<16xf32>
          %swap3A_339 = arith.index_cast %add3A_287 : i32 to index
          %swap3A_340 = arith.index_cast %multiple_of3A_334 : i32 to index
          %swap3A_341 = tpu.vector_load %arg15[%swap3A_339, %swap3A_340] {strides = array<i32>} : memref<8x1024xf32, #tpu.memory_space<vmem>>, vector<1x16xf32>,
          %swap3A_342 = vector.shape_cast %swap3A_341 : vector<1x16xf32> to vector<16xf32>
          %swap3A_343 = vector.shape_cast %get3A_338 : vector<16xf32> to vector<1x16xf32>
          tpu.vector_store %arg15[%swap3A_339, %swap3A_340], %swap3A_343 {add = true, strides = array<i32>} : memref<8x1024xf32, #tpu.memory_space<vmem>>, vector<1x16xf32>,
          %scan3A_344 = arith.constant 3 : i32
          %scan3A_345 = arith.addi %scan3A_293, %scan3A_344 : i32
          %mul3A_346 = arith.constant 1 : i32
          %mul3A_347 = arith.muli %scan3A_345, %mul3A_346 : i32
          %add3A_348 = arith.constant 0 : i32
          %add3A_349 = arith.addi %add3A_348, %mul3A_347 : i32
          %mul3A_350 = arith.constant 16 : i32
          %mul3A_351 = arith.muli %add3A_349, %mul3A_350 : i32
          %multiple_of3A_352 = tpu.assume_multiple %mul3A_351, 16 : i32
          %get3A_353 = arith.index_cast %add3A_287 : i32 to index
          %get3A_354 = arith.index_cast %multiple_of3A_352 : i32 to index
          %get3A_355 = tpu.vector_load %arg9[%get3A_353, %get3A_354] {strides = array<i32>} : memref<8x1024xf32, #tpu.memory_space<vmem>>, vector<1x16xf32>,
          %get3A_356 = vector.shape_cast %get3A_355 : vector<1x16xf32> to vector<16xf32>
          %swap3A_357 = arith.index_cast %add3A_287 : i32 to index
          %swap3A_358 = arith.index_cast %multiple_of3A_352 : i32 to index
          %swap3A_359 = tpu.vector_load %arg15[%swap3A_357, %swap3A_358] {strides = array<i32>} : memref<8x1024xf32, #tpu.memory_space<vmem>>, vector<1x16xf32>,
          %swap3A_360 = vector.shape_cast %swap3A_359 : vector<1x16xf32> to vector<16xf32>
          %swap3A_361 = vector.shape_cast %get3A_356 : vector<16xf32> to vector<1x16xf32>
          tpu.vector_store %arg15[%swap3A_357, %swap3A_358], %swap3A_361 {add = true, strides = array<i32>} : memref<8x1024xf32, #tpu.memory_space<vmem>>, vector<1x16xf32>,
          %scan3A_362 = arith.constant 4 : i32
          %scan3A_363 = arith.addi %scan3A_293, %scan3A_362 : i32
          %mul3A_364 = arith.constant 1 : i32
          %mul3A_365 = arith.muli %scan3A_363, %mul3A_364 : i32
          %add3A_366 = arith.constant 0 : i32
          %add3A_367 = arith.addi %add3A_366, %mul3A_365 : i32
          %mul3A_368 = arith.constant 16 : i32
          %mul3A_369 = arith.muli %add3A_367, %mul3A_368 : i32
          %multiple_of3A_370 = tpu.assume_multiple %mul3A_369, 16 : i32
          %get3A_371 = arith.index_cast %add3A_287 : i32 to index
          %get3A_372 = arith.index_cast %multiple_of3A_370 : i32 to index
          %get3A_373 = tpu.vector_load %arg9[%get3A_371, %get3A_372] {strides = array<i32>} : memref<8x1024xf32, #tpu.memory_space<vmem>>, vector<1x16xf32>,
          %get3A_374 = vector.shape_cast %get3A_373 : vector<1x16xf32> to vector<16xf32>
          %swap3A_375 = arith.index_cast %add3A_287 : i32 to index
          %swap3A_376 = arith.index_cast %multiple_of3A_370 : i32 to index
          %swap3A_377 = tpu.vector_load %arg15[%swap3A_375, %swap3A_376] {strides = array<i32>} : memref<8x1024xf32, #tpu.memory_space<vmem>>, vector<1x16xf32>,
          %swap3A_378 = vector.shape_cast %swap3A_377 : vector<1x16xf32> to vector<16xf32>
          %swap3A_379 = vector.shape_cast %get3A_374 : vector<16xf32> to vector<1x16xf32>
          tpu.vector_store %arg15[%swap3A_375, %swap3A_376], %swap3A_379 {add = true, strides = array<i32>} : memref<8x1024xf32, #tpu.memory_space<vmem>>, vector<1x16xf32>,
          %scan3A_380 = arith.constant 5 : i32
          %scan3A_381 = arith.addi %scan3A_293, %scan3A_380 : i32
          %mul3A_382 = arith.constant 1 : i32
          %mul3A_383 = arith.muli %scan3A_381, %mul3A_382 : i32
          %add3A_384 = arith.constant 0 : i32
          %add3A_385 = arith.addi %add3A_384, %mul3A_383 : i32
          %mul3A_386 = arith.constant 16 : i32
          %mul3A_387 = arith.muli %add3A_385, %mul3A_386 : i32
          %multiple_of3A_388 = tpu.assume_multiple %mul3A_387, 16 : i32
          %get3A_389 = arith.index_cast %add3A_287 : i32 to index
          %get3A_390 = arith.index_cast %multiple_of3A_388 : i32 to index
          %get3A_391 = tpu.vector_load %arg9[%get3A_389, %get3A_390] {strides = array<i32>} : memref<8x1024xf32, #tpu.memory_space<vmem>>, vector<1x16xf32>,
          %get3A_392 = vector.shape_cast %get3A_391 : vector<1x16xf32> to vector<16xf32>
          %swap3A_393 = arith.index_cast %add3A_287 : i32 to index
          %swap3A_394 = arith.index_cast %multiple_of3A_388 : i32 to index
          %swap3A_395 = tpu.vector_load %arg15[%swap3A_393, %swap3A_394] {strides = array<i32>} : memref<8x1024xf32, #tpu.memory_space<vmem>>, vector<1x16xf32>,
          %swap3A_396 = vector.shape_cast %swap3A_395 : vector<1x16xf32> to vector<16xf32>
          %swap3A_397 = vector.shape_cast %get3A_392 : vector<16xf32> to vector<1x16xf32>
          tpu.vector_store %arg15[%swap3A_393, %swap3A_394], %swap3A_397 {add = true, strides = array<i32>} : memref<8x1024xf32, #tpu.memory_space<vmem>>, vector<1x16xf32>,
          %scan3A_398 = arith.constant 6 : i32
          %scan3A_399 = arith.addi %scan3A_293, %scan3A_398 : i32
          %mul3A_400 = arith.constant 1 : i32
          %mul3A_401 = arith.muli %scan3A_399, %mul3A_400 : i32
          %add3A_402 = arith.constant 0 : i32
          %add3A_403 = arith.addi %add3A_402, %mul3A_401 : i32
          %mul3A_404 = arith.constant 16 : i32
          %mul3A_405 = arith.muli %add3A_403, %mul3A_404 : i32
          %multiple_of3A_406 = tpu.assume_multiple %mul3A_405, 16 : i32
          %get3A_407 = arith.index_cast %add3A_287 : i32 to index
          %get3A_408 = arith.index_cast %multiple_of3A_406 : i32 to index
          %get3A_409 = tpu.vector_load %arg9[%get3A_407, %get3A_408] {strides = array<i32>} : memref<8x1024xf32, #tpu.memory_space<vmem>>, vector<1x16xf32>,
          %get3A_410 = vector.shape_cast %get3A_409 : vector<1x16xf32> to vector<16xf32>
          %swap3A_411 = arith.index_cast %add3A_287 : i32 to index
          %swap3A_412 = arith.index_cast %multiple_of3A_406 : i32 to index
          %swap3A_413 = tpu.vector_load %arg15[%swap3A_411, %swap3A_412] {strides = array<i32>} : memref<8x1024xf32, #tpu.memory_space<vmem>>, vector<1x16xf32>,
          %swap3A_414 = vector.shape_cast %swap3A_413 : vector<1x16xf32> to vector<16xf32>
          %swap3A_415 = vector.shape_cast %get3A_410 : vector<16xf32> to vector<1x16xf32>
          tpu.vector_store %arg15[%swap3A_411, %swap3A_412], %swap3A_415 {add = true, strides = array<i32>} : memref<8x1024xf32, #tpu.memory_space<vmem>>, vector<1x16xf32>,
          %scan3A_416 = arith.constant 7 : i32
          %scan3A_417 = arith.addi %scan3A_293, %scan3A_416 : i32
          %mul3A_418 = arith.constant 1 : i32
          %mul3A_419 = arith.muli %scan3A_417, %mul3A_418 : i32
          %add3A_420 = arith.constant 0 : i32
          %add3A_421 = arith.addi %add3A_420, %mul3A_419 : i32
          %mul3A_422 = arith.constant 16 : i32
          %mul3A_423 = arith.muli %add3A_421, %mul3A_422 : i32
          %multiple_of3A_424 = tpu.assume_multiple %mul3A_423, 16 : i32
          %get3A_425 = arith.index_cast %add3A_287 : i32 to index
          %get3A_426 = arith.index_cast %multiple_of3A_424 : i32 to index
          %get3A_427 = tpu.vector_load %arg9[%get3A_425, %get3A_426] {strides = array<i32>} : memref<8x1024xf32, #tpu.memory_space<vmem>>, vector<1x16xf32>,
          %get3A_428 = vector.shape_cast %get3A_427 : vector<1x16xf32> to vector<16xf32>
          %swap3A_429 = arith.index_cast %add3A_287 : i32 to index
          %swap3A_430 = arith.index_cast %multiple_of3A_424 : i32 to index
          %swap3A_431 = tpu.vector_load %arg15[%swap3A_429, %swap3A_430] {strides = array<i32>} : memref<8x1024xf32, #tpu.memory_space<vmem>>, vector<1x16xf32>,
          %swap3A_432 = vector.shape_cast %swap3A_431 : vector<1x16xf32> to vector<16xf32>
          %swap3A_433 = vector.shape_cast %get3A_428 : vector<16xf32> to vector<1x16xf32>
          tpu.vector_store %arg15[%swap3A_429, %swap3A_430], %swap3A_433 {add = true, strides = array<i32>} : memref<8x1024xf32, #tpu.memory_space<vmem>>, vector<1x16xf32>,
        }
        %scan3A_292 = arith.constant 64 : i32
      }
      %scan3A_192 = arith.constant 8 : i32
      %mul3A_193 = arith.constant 6 : i32
      %mul3A_194 = arith.muli %add3A_87, %mul3A_193 : i32
      %add3A_195 = arith.constant 3 : i32
      %add3A_196 = arith.addi %mul3A_194, %add3A_195 : i32
      %add3A_197 = arith.constant 3 : i32
      %add3A_198 = arith.addi %add3A_196, %add3A_197 : i32
      %mul3A_199 = arith.constant 8 : i32
      %mul3A_200 = arith.muli %add3A_198, %mul3A_199 : i32
      %multiple_of3A_201 = tpu.assume_multiple %mul3A_200, 8 : i32
      %mul3A_202 = arith.constant 8 : i32
      %mul3A_203 = arith.muli %add3A_198, %mul3A_202 : i32
      %add3A_204 = arith.addi %multiple_of3A, %mul3A_203 : i32
      %multiple_of3A_205 = tpu.assume_multiple %add3A_204, 8 : i32
      %dma_start3A_206 = tpu.memref_slice %arg6[%multiple_of3A_201] : memref<1024xi32, #tpu.memory_space<vmem>> -> memref<8xi32, #tpu.memory_space<vmem>>
      %dma_start3A_207 = arith.constant 0 : i32
      %dma_start3A_208 = arith.constant 0 : i32
      %dma_start3A_209 = tpu.memref_slice %arg4[%dma_start3A_207, %dma_start3A_208] : memref<100000x1024xf32, #tpu.memory_space<hbm>> -> memref<100000x1024xf32, #tpu.memory_space<hbm>>
      tpu.enqueue_indirect_dma source(%dma_start3A_209 : memref<100000x1024xf32, #tpu.memory_space<hbm>>) target(%arg13 : memref<8x1024xf32, #tpu.memory_space<vmem>>) offsets(%dma_start3A_206 : memref<8xi32, #tpu.memory_space<vmem>>) semaphore(%arg19 : memref<!tpu.dma_semaphore, #tpu.memory_space<semaphore_mem>>)
      %dma_start3A_210 = arith.constant 0 : i32
      %dma_start3A_211 = tpu.memref_slice %arg2[%multiple_of3A_205, %dma_start3A_210] : memref<32768x1024xf32, #tpu.memory_space<hbm>> -> memref<8x1024xf32, #tpu.memory_space<hbm>>
      %dma_start3A_212 = arith.constant 0 : i32
      %dma_start3A_213 = tpu.memref_slice %arg2[%multiple_of3A_205, %dma_start3A_212] : memref<32768x1024xf32, #tpu.memory_space<hbm>> -> memref<8x1024xf32, #tpu.memory_space<hbm>>
      tpu.enqueue_dma source(%dma_start3A_213 : memref<8x1024xf32, #tpu.memory_space<hbm>>) target(%arg7 : memref<8x1024xf32, #tpu.memory_space<vmem>>) target_semaphore(%arg19 : memref<!tpu.dma_semaphore, #tpu.memory_space<semaphore_mem>>)
      %dma_wait3A_214 = arith.constant 0 : i32
      %dma_wait3A_215 = tpu.memref_slice %arg6[%dma_wait3A_214] : memref<1024xi32, #tpu.memory_space<vmem>> -> memref<8xi32, #tpu.memory_space<vmem>>
      %dma_wait3A_216 = arith.constant 0 : i32
      %dma_wait3A_217 = arith.constant 0 : i32
      %dma_wait3A_218 = tpu.memref_slice %arg4[%dma_wait3A_216, %dma_wait3A_217] : memref<100000x1024xf32, #tpu.memory_space<hbm>> -> memref<100000x1024xf32, #tpu.memory_space<hbm>>
      tpu.wait_indirect_dma semaphore(%arg22 : memref<!tpu.dma_semaphore, #tpu.memory_space<semaphore_mem>>) src(%dma_wait3A_218 : memref<100000x1024xf32, #tpu.memory_space<hbm>>) dst(%arg16 : memref<8x1024xf32, #tpu.memory_space<vmem>>)
      %dma_wait3A_219 = arith.constant 0 : i32
      %dma_wait3A_220 = tpu.memref_slice %arg2[%multiple_of3A, %dma_wait3A_219] : memref<32768x1024xf32, #tpu.memory_space<hbm>> -> memref<8x1024xf32, #tpu.memory_space<hbm>>
      %dma_wait3A_221 = arith.constant 0 : i32
      %dma_wait3A_222 = tpu.memref_slice %arg2[%multiple_of3A, %dma_wait3A_221] : memref<32768x1024xf32, #tpu.memory_space<hbm>> -> memref<8x1024xf32, #tpu.memory_space<hbm>>
      tpu.wait_dma2 semaphore(%arg22 : memref<!tpu.dma_semaphore, #tpu.memory_space<semaphore_mem>>) src(%dma_wait3A_222 : memref<8x1024xf32, #tpu.memory_space<hbm>>) dst(%arg10 : memref<8x1024xf32, #tpu.memory_space<vmem>>)
      %scan3A_223 = arith.constant 0 : i32
      %scan3A_224 = arith.constant 8 : i32
      %scan3A_225 = arith.addi %scan3A_223, %scan3A_224 : i32
      %scan3A_226 = arith.constant 1 : i32
      scf.for %scan3A_283 = %scan3A_223 to %scan3A_225 step %scan3A_226  : i32 {
        %mul3A_284 = arith.constant 1 : i32
        %mul3A_285 = arith.muli %scan3A_283, %mul3A_284 : i32
        %add3A_286 = arith.constant 0 : i32
        %add3A_287 = arith.addi %add3A_286, %mul3A_285 : i32
        %scan3A_288 = arith.constant 0 : i32
        %scan3A_289 = arith.constant 64 : i32
        %scan3A_290 = arith.addi %scan3A_288, %scan3A_289 : i32
        %scan3A_291 = arith.constant 8 : i32
        scf.for %scan3A_293 = %scan3A_288 to %scan3A_290 step %scan3A_291  : i32 {
          %mul3A_294 = arith.constant 1 : i32
          %mul3A_295 = arith.muli %scan3A_293, %mul3A_294 : i32
          %add3A_296 = arith.constant 0 : i32
          %add3A_297 = arith.addi %add3A_296, %mul3A_295 : i32
          %mul3A_298 = arith.constant 16 : i32
          %mul3A_299 = arith.muli %add3A_297, %mul3A_298 : i32
          %multiple_of3A_300 = tpu.assume_multiple %mul3A_299, 16 : i32
          %get3A = arith.index_cast %add3A_287 : i32 to index
          %get3A_301 = arith.index_cast %multiple_of3A_300 : i32 to index
          %get3A_302 = tpu.vector_load %arg10[%get3A, %get3A_301] {strides = array<i32>} : memref<8x1024xf32, #tpu.memory_space<vmem>>, vector<1x16xf32>,
          %get3A_303 = vector.shape_cast %get3A_302 : vector<1x16xf32> to vector<16xf32>
          %swap3A = arith.index_cast %add3A_287 : i32 to index
          %swap3A_304 = arith.index_cast %multiple_of3A_300 : i32 to index
          %swap3A_305 = tpu.vector_load %arg16[%swap3A, %swap3A_304] {strides = array<i32>} : memref<8x1024xf32, #tpu.memory_space<vmem>>, vector<1x16xf32>,
          %swap3A_306 = vector.shape_cast %swap3A_305 : vector<1x16xf32> to vector<16xf32>
          %swap3A_307 = vector.shape_cast %get3A_303 : vector<16xf32> to vector<1x16xf32>
          tpu.vector_store %arg16[%swap3A, %swap3A_304], %swap3A_307 {add = true, strides = array<i32>} : memref<8x1024xf32, #tpu.memory_space<vmem>>, vector<1x16xf32>,
          %scan3A_308 = arith.constant 1 : i32
          %scan3A_309 = arith.addi %scan3A_293, %scan3A_308 : i32
          %mul3A_310 = arith.constant 1 : i32
          %mul3A_311 = arith.muli %scan3A_309, %mul3A_310 : i32
          %add3A_312 = arith.constant 0 : i32
          %add3A_313 = arith.addi %add3A_312, %mul3A_311 : i32
          %mul3A_314 = arith.constant 16 : i32
          %mul3A_315 = arith.muli %add3A_313, %mul3A_314 : i32
          %multiple_of3A_316 = tpu.assume_multiple %mul3A_315, 16 : i32
          %get3A_317 = arith.index_cast %add3A_287 : i32 to index
          %get3A_318 = arith.index_cast %multiple_of3A_316 : i32 to index
          %get3A_319 = tpu.vector_load %arg10[%get3A_317, %get3A_318] {strides = array<i32>} : memref<8x1024xf32, #tpu.memory_space<vmem>>, vector<1x16xf32>,
          %get3A_320 = vector.shape_cast %get3A_319 : vector<1x16xf32> to vector<16xf32>
          %swap3A_321 = arith.index_cast %add3A_287 : i32 to index
          %swap3A_322 = arith.index_cast %multiple_of3A_316 : i32 to index
          %swap3A_323 = tpu.vector_load %arg16[%swap3A_321, %swap3A_322] {strides = array<i32>} : memref<8x1024xf32, #tpu.memory_space<vmem>>, vector<1x16xf32>,
          %swap3A_324 = vector.shape_cast %swap3A_323 : vector<1x16xf32> to vector<16xf32>
          %swap3A_325 = vector.shape_cast %get3A_320 : vector<16xf32> to vector<1x16xf32>
          tpu.vector_store %arg16[%swap3A_321, %swap3A_322], %swap3A_325 {add = true, strides = array<i32>} : memref<8x1024xf32, #tpu.memory_space<vmem>>, vector<1x16xf32>,
          %scan3A_326 = arith.constant 2 : i32
          %scan3A_327 = arith.addi %scan3A_293, %scan3A_326 : i32
          %mul3A_328 = arith.constant 1 : i32
          %mul3A_329 = arith.muli %scan3A_327, %mul3A_328 : i32
          %add3A_330 = arith.constant 0 : i32
          %add3A_331 = arith.addi %add3A_330, %mul3A_329 : i32
          %mul3A_332 = arith.constant 16 : i32
          %mul3A_333 = arith.muli %add3A_331, %mul3A_332 : i32
          %multiple_of3A_334 = tpu.assume_multiple %mul3A_333, 16 : i32
          %get3A_335 = arith.index_cast %add3A_287 : i32 to index
          %get3A_336 = arith.index_cast %multiple_of3A_334 : i32 to index
          %get3A_337 = tpu.vector_load %arg10[%get3A_335, %get3A_336] {strides = array<i32>} : memref<8x1024xf32, #tpu.memory_space<vmem>>, vector<1x16xf32>,
          %get3A_338 = vector.shape_cast %get3A_337 : vector<1x16xf32> to vector<16xf32>
          %swap3A_339 = arith.index_cast %add3A_287 : i32 to index
          %swap3A_340 = arith.index_cast %multiple_of3A_334 : i32 to index
          %swap3A_341 = tpu.vector_load %arg16[%swap3A_339, %swap3A_340] {strides = array<i32>} : memref<8x1024xf32, #tpu.memory_space<vmem>>, vector<1x16xf32>,
          %swap3A_342 = vector.shape_cast %swap3A_341 : vector<1x16xf32> to vector<16xf32>
          %swap3A_343 = vector.shape_cast %get3A_338 : vector<16xf32> to vector<1x16xf32>
          tpu.vector_store %arg16[%swap3A_339, %swap3A_340], %swap3A_343 {add = true, strides = array<i32>} : memref<8x1024xf32, #tpu.memory_space<vmem>>, vector<1x16xf32>,
          %scan3A_344 = arith.constant 3 : i32
          %scan3A_345 = arith.addi %scan3A_293, %scan3A_344 : i32
          %mul3A_346 = arith.constant 1 : i32
          %mul3A_347 = arith.muli %scan3A_345, %mul3A_346 : i32
          %add3A_348 = arith.constant 0 : i32
          %add3A_349 = arith.addi %add3A_348, %mul3A_347 : i32
          %mul3A_350 = arith.constant 16 : i32
          %mul3A_351 = arith.muli %add3A_349, %mul3A_350 : i32
          %multiple_of3A_352 = tpu.assume_multiple %mul3A_351, 16 : i32
          %get3A_353 = arith.index_cast %add3A_287 : i32 to index
          %get3A_354 = arith.index_cast %multiple_of3A_352 : i32 to index
          %get3A_355 = tpu.vector_load %arg10[%get3A_353, %get3A_354] {strides = array<i32>} : memref<8x1024xf32, #tpu.memory_space<vmem>>, vector<1x16xf32>,
          %get3A_356 = vector.shape_cast %get3A_355 : vector<1x16xf32> to vector<16xf32>
          %swap3A_357 = arith.index_cast %add3A_287 : i32 to index
          %swap3A_358 = arith.index_cast %multiple_of3A_352 : i32 to index
          %swap3A_359 = tpu.vector_load %arg16[%swap3A_357, %swap3A_358] {strides = array<i32>} : memref<8x1024xf32, #tpu.memory_space<vmem>>, vector<1x16xf32>,
          %swap3A_360 = vector.shape_cast %swap3A_359 : vector<1x16xf32> to vector<16xf32>
          %swap3A_361 = vector.shape_cast %get3A_356 : vector<16xf32> to vector<1x16xf32>
          tpu.vector_store %arg16[%swap3A_357, %swap3A_358], %swap3A_361 {add = true, strides = array<i32>} : memref<8x1024xf32, #tpu.memory_space<vmem>>, vector<1x16xf32>,
          %scan3A_362 = arith.constant 4 : i32
          %scan3A_363 = arith.addi %scan3A_293, %scan3A_362 : i32
          %mul3A_364 = arith.constant 1 : i32
          %mul3A_365 = arith.muli %scan3A_363, %mul3A_364 : i32
          %add3A_366 = arith.constant 0 : i32
          %add3A_367 = arith.addi %add3A_366, %mul3A_365 : i32
          %mul3A_368 = arith.constant 16 : i32
          %mul3A_369 = arith.muli %add3A_367, %mul3A_368 : i32
          %multiple_of3A_370 = tpu.assume_multiple %mul3A_369, 16 : i32
          %get3A_371 = arith.index_cast %add3A_287 : i32 to index
          %get3A_372 = arith.index_cast %multiple_of3A_370 : i32 to index
          %get3A_373 = tpu.vector_load %arg10[%get3A_371, %get3A_372] {strides = array<i32>} : memref<8x1024xf32, #tpu.memory_space<vmem>>, vector<1x16xf32>,
          %get3A_374 = vector.shape_cast %get3A_373 : vector<1x16xf32> to vector<16xf32>
          %swap3A_375 = arith.index_cast %add3A_287 : i32 to index
          %swap3A_376 = arith.index_cast %multiple_of3A_370 : i32 to index
          %swap3A_377 = tpu.vector_load %arg16[%swap3A_375, %swap3A_376] {strides = array<i32>} : memref<8x1024xf32, #tpu.memory_space<vmem>>, vector<1x16xf32>,
          %swap3A_378 = vector.shape_cast %swap3A_377 : vector<1x16xf32> to vector<16xf32>
          %swap3A_379 = vector.shape_cast %get3A_374 : vector<16xf32> to vector<1x16xf32>
          tpu.vector_store %arg16[%swap3A_375, %swap3A_376], %swap3A_379 {add = true, strides = array<i32>} : memref<8x1024xf32, #tpu.memory_space<vmem>>, vector<1x16xf32>,
          %scan3A_380 = arith.constant 5 : i32
          %scan3A_381 = arith.addi %scan3A_293, %scan3A_380 : i32
          %mul3A_382 = arith.constant 1 : i32
          %mul3A_383 = arith.muli %scan3A_381, %mul3A_382 : i32
          %add3A_384 = arith.constant 0 : i32
          %add3A_385 = arith.addi %add3A_384, %mul3A_383 : i32
          %mul3A_386 = arith.constant 16 : i32
          %mul3A_387 = arith.muli %add3A_385, %mul3A_386 : i32
          %multiple_of3A_388 = tpu.assume_multiple %mul3A_387, 16 : i32
          %get3A_389 = arith.index_cast %add3A_287 : i32 to index
          %get3A_390 = arith.index_cast %multiple_of3A_388 : i32 to index
          %get3A_391 = tpu.vector_load %arg10[%get3A_389, %get3A_390] {strides = array<i32>} : memref<8x1024xf32, #tpu.memory_space<vmem>>, vector<1x16xf32>,
          %get3A_392 = vector.shape_cast %get3A_391 : vector<1x16xf32> to vector<16xf32>
          %swap3A_393 = arith.index_cast %add3A_287 : i32 to index
          %swap3A_394 = arith.index_cast %multiple_of3A_388 : i32 to index
          %swap3A_395 = tpu.vector_load %arg16[%swap3A_393, %swap3A_394] {strides = array<i32>} : memref<8x1024xf32, #tpu.memory_space<vmem>>, vector<1x16xf32>,
          %swap3A_396 = vector.shape_cast %swap3A_395 : vector<1x16xf32> to vector<16xf32>
          %swap3A_397 = vector.shape_cast %get3A_392 : vector<16xf32> to vector<1x16xf32>
          tpu.vector_store %arg16[%swap3A_393, %swap3A_394], %swap3A_397 {add = true, strides = array<i32>} : memref<8x1024xf32, #tpu.memory_space<vmem>>, vector<1x16xf32>,
          %scan3A_398 = arith.constant 6 : i32
          %scan3A_399 = arith.addi %scan3A_293, %scan3A_398 : i32
          %mul3A_400 = arith.constant 1 : i32
          %mul3A_401 = arith.muli %scan3A_399, %mul3A_400 : i32
          %add3A_402 = arith.constant 0 : i32
          %add3A_403 = arith.addi %add3A_402, %mul3A_401 : i32
          %mul3A_404 = arith.constant 16 : i32
          %mul3A_405 = arith.muli %add3A_403, %mul3A_404 : i32
          %multiple_of3A_406 = tpu.assume_multiple %mul3A_405, 16 : i32
          %get3A_407 = arith.index_cast %add3A_287 : i32 to index
          %get3A_408 = arith.index_cast %multiple_of3A_406 : i32 to index
          %get3A_409 = tpu.vector_load %arg10[%get3A_407, %get3A_408] {strides = array<i32>} : memref<8x1024xf32, #tpu.memory_space<vmem>>, vector<1x16xf32>,
          %get3A_410 = vector.shape_cast %get3A_409 : vector<1x16xf32> to vector<16xf32>
          %swap3A_411 = arith.index_cast %add3A_287 : i32 to index
          %swap3A_412 = arith.index_cast %multiple_of3A_406 : i32 to index
          %swap3A_413 = tpu.vector_load %arg16[%swap3A_411, %swap3A_412] {strides = array<i32>} : memref<8x1024xf32, #tpu.memory_space<vmem>>, vector<1x16xf32>,
          %swap3A_414 = vector.shape_cast %swap3A_413 : vector<1x16xf32> to vector<16xf32>
          %swap3A_415 = vector.shape_cast %get3A_410 : vector<16xf32> to vector<1x16xf32>
          tpu.vector_store %arg16[%swap3A_411, %swap3A_412], %swap3A_415 {add = true, strides = array<i32>} : memref<8x1024xf32, #tpu.memory_space<vmem>>, vector<1x16xf32>,
          %scan3A_416 = arith.constant 7 : i32
          %scan3A_417 = arith.addi %scan3A_293, %scan3A_416 : i32
          %mul3A_418 = arith.constant 1 : i32
          %mul3A_419 = arith.muli %scan3A_417, %mul3A_418 : i32
          %add3A_420 = arith.constant 0 : i32
          %add3A_421 = arith.addi %add3A_420, %mul3A_419 : i32
          %mul3A_422 = arith.constant 16 : i32
          %mul3A_423 = arith.muli %add3A_421, %mul3A_422 : i32
          %multiple_of3A_424 = tpu.assume_multiple %mul3A_423, 16 : i32
          %get3A_425 = arith.index_cast %add3A_287 : i32 to index
          %get3A_426 = arith.index_cast %multiple_of3A_424 : i32 to index
          %get3A_427 = tpu.vector_load %arg10[%get3A_425, %get3A_426] {strides = array<i32>} : memref<8x1024xf32, #tpu.memory_space<vmem>>, vector<1x16xf32>,
          %get3A_428 = vector.shape_cast %get3A_427 : vector<1x16xf32> to vector<16xf32>
          %swap3A_429 = arith.index_cast %add3A_287 : i32 to index
          %swap3A_430 = arith.index_cast %multiple_of3A_424 : i32 to index
          %swap3A_431 = tpu.vector_load %arg16[%swap3A_429, %swap3A_430] {strides = array<i32>} : memref<8x1024xf32, #tpu.memory_space<vmem>>, vector<1x16xf32>,
          %swap3A_432 = vector.shape_cast %swap3A_431 : vector<1x16xf32> to vector<16xf32>
          %swap3A_433 = vector.shape_cast %get3A_428 : vector<16xf32> to vector<1x16xf32>
          tpu.vector_store %arg16[%swap3A_429, %swap3A_430], %swap3A_433 {add = true, strides = array<i32>} : memref<8x1024xf32, #tpu.memory_space<vmem>>, vector<1x16xf32>,
        }
        %scan3A_292 = arith.constant 64 : i32
      }
      %scan3A_227 = arith.constant 8 : i32
      %mul3A_228 = arith.constant 6 : i32
      %mul3A_229 = arith.muli %add3A_87, %mul3A_228 : i32
      %add3A_230 = arith.constant 4 : i32
      %add3A_231 = arith.addi %mul3A_229, %add3A_230 : i32
      %add3A_232 = arith.constant 3 : i32
      %add3A_233 = arith.addi %add3A_231, %add3A_232 : i32
      %mul3A_234 = arith.constant 8 : i32
      %mul3A_235 = arith.muli %add3A_233, %mul3A_234 : i32
      %multiple_of3A_236 = tpu.assume_multiple %mul3A_235, 8 : i32
      %mul3A_237 = arith.constant 8 : i32
      %mul3A_238 = arith.muli %add3A_233, %mul3A_237 : i32
      %add3A_239 = arith.addi %multiple_of3A, %mul3A_238 : i32
      %multiple_of3A_240 = tpu.assume_multiple %add3A_239, 8 : i32
      %dma_start3A_241 = tpu.memref_slice %arg6[%multiple_of3A_236] : memref<1024xi32, #tpu.memory_space<vmem>> -> memref<8xi32, #tpu.memory_space<vmem>>
      %dma_start3A_242 = arith.constant 0 : i32
      %dma_start3A_243 = arith.constant 0 : i32
      %dma_start3A_244 = tpu.memref_slice %arg4[%dma_start3A_242, %dma_start3A_243] : memref<100000x1024xf32, #tpu.memory_space<hbm>> -> memref<100000x1024xf32, #tpu.memory_space<hbm>>
      tpu.enqueue_indirect_dma source(%dma_start3A_244 : memref<100000x1024xf32, #tpu.memory_space<hbm>>) target(%arg14 : memref<8x1024xf32, #tpu.memory_space<vmem>>) offsets(%dma_start3A_241 : memref<8xi32, #tpu.memory_space<vmem>>) semaphore(%arg20 : memref<!tpu.dma_semaphore, #tpu.memory_space<semaphore_mem>>)
      %dma_start3A_245 = arith.constant 0 : i32
      %dma_start3A_246 = tpu.memref_slice %arg2[%multiple_of3A_240, %dma_start3A_245] : memref<32768x1024xf32, #tpu.memory_space<hbm>> -> memref<8x1024xf32, #tpu.memory_space<hbm>>
      %dma_start3A_247 = arith.constant 0 : i32
      %dma_start3A_248 = tpu.memref_slice %arg2[%multiple_of3A_240, %dma_start3A_247] : memref<32768x1024xf32, #tpu.memory_space<hbm>> -> memref<8x1024xf32, #tpu.memory_space<hbm>>
      tpu.enqueue_dma source(%dma_start3A_248 : memref<8x1024xf32, #tpu.memory_space<hbm>>) target(%arg8 : memref<8x1024xf32, #tpu.memory_space<vmem>>) target_semaphore(%arg20 : memref<!tpu.dma_semaphore, #tpu.memory_space<semaphore_mem>>)
      %dma_wait3A_249 = arith.constant 0 : i32
      %dma_wait3A_250 = tpu.memref_slice %arg6[%dma_wait3A_249] : memref<1024xi32, #tpu.memory_space<vmem>> -> memref<8xi32, #tpu.memory_space<vmem>>
      %dma_wait3A_251 = arith.constant 0 : i32
      %dma_wait3A_252 = arith.constant 0 : i32
      %dma_wait3A_253 = tpu.memref_slice %arg4[%dma_wait3A_251, %dma_wait3A_252] : memref<100000x1024xf32, #tpu.memory_space<hbm>> -> memref<100000x1024xf32, #tpu.memory_space<hbm>>
      tpu.wait_indirect_dma semaphore(%arg23 : memref<!tpu.dma_semaphore, #tpu.memory_space<semaphore_mem>>) src(%dma_wait3A_253 : memref<100000x1024xf32, #tpu.memory_space<hbm>>) dst(%arg17 : memref<8x1024xf32, #tpu.memory_space<vmem>>)
      %dma_wait3A_254 = arith.constant 0 : i32
      %dma_wait3A_255 = tpu.memref_slice %arg2[%multiple_of3A, %dma_wait3A_254] : memref<32768x1024xf32, #tpu.memory_space<hbm>> -> memref<8x1024xf32, #tpu.memory_space<hbm>>
      %dma_wait3A_256 = arith.constant 0 : i32
      %dma_wait3A_257 = tpu.memref_slice %arg2[%multiple_of3A, %dma_wait3A_256] : memref<32768x1024xf32, #tpu.memory_space<hbm>> -> memref<8x1024xf32, #tpu.memory_space<hbm>>
      tpu.wait_dma2 semaphore(%arg23 : memref<!tpu.dma_semaphore, #tpu.memory_space<semaphore_mem>>) src(%dma_wait3A_257 : memref<8x1024xf32, #tpu.memory_space<hbm>>) dst(%arg11 : memref<8x1024xf32, #tpu.memory_space<vmem>>)
      %scan3A_258 = arith.constant 0 : i32
      %scan3A_259 = arith.constant 8 : i32
      %scan3A_260 = arith.addi %scan3A_258, %scan3A_259 : i32
      %scan3A_261 = arith.constant 1 : i32
      scf.for %scan3A_283 = %scan3A_258 to %scan3A_260 step %scan3A_261  : i32 {
        %mul3A_284 = arith.constant 1 : i32
        %mul3A_285 = arith.muli %scan3A_283, %mul3A_284 : i32
        %add3A_286 = arith.constant 0 : i32
        %add3A_287 = arith.addi %add3A_286, %mul3A_285 : i32
        %scan3A_288 = arith.constant 0 : i32
        %scan3A_289 = arith.constant 64 : i32
        %scan3A_290 = arith.addi %scan3A_288, %scan3A_289 : i32
        %scan3A_291 = arith.constant 8 : i32
        scf.for %scan3A_293 = %scan3A_288 to %scan3A_290 step %scan3A_291  : i32 {
          %mul3A_294 = arith.constant 1 : i32
          %mul3A_295 = arith.muli %scan3A_293, %mul3A_294 : i32
          %add3A_296 = arith.constant 0 : i32
          %add3A_297 = arith.addi %add3A_296, %mul3A_295 : i32
          %mul3A_298 = arith.constant 16 : i32
          %mul3A_299 = arith.muli %add3A_297, %mul3A_298 : i32
          %multiple_of3A_300 = tpu.assume_multiple %mul3A_299, 16 : i32
          %get3A = arith.index_cast %add3A_287 : i32 to index
          %get3A_301 = arith.index_cast %multiple_of3A_300 : i32 to index
          %get3A_302 = tpu.vector_load %arg11[%get3A, %get3A_301] {strides = array<i32>} : memref<8x1024xf32, #tpu.memory_space<vmem>>, vector<1x16xf32>,
          %get3A_303 = vector.shape_cast %get3A_302 : vector<1x16xf32> to vector<16xf32>
          %swap3A = arith.index_cast %add3A_287 : i32 to index
          %swap3A_304 = arith.index_cast %multiple_of3A_300 : i32 to index
          %swap3A_305 = tpu.vector_load %arg17[%swap3A, %swap3A_304] {strides = array<i32>} : memref<8x1024xf32, #tpu.memory_space<vmem>>, vector<1x16xf32>,
          %swap3A_306 = vector.shape_cast %swap3A_305 : vector<1x16xf32> to vector<16xf32>
          %swap3A_307 = vector.shape_cast %get3A_303 : vector<16xf32> to vector<1x16xf32>
          tpu.vector_store %arg17[%swap3A, %swap3A_304], %swap3A_307 {add = true, strides = array<i32>} : memref<8x1024xf32, #tpu.memory_space<vmem>>, vector<1x16xf32>,
          %scan3A_308 = arith.constant 1 : i32
          %scan3A_309 = arith.addi %scan3A_293, %scan3A_308 : i32
          %mul3A_310 = arith.constant 1 : i32
          %mul3A_311 = arith.muli %scan3A_309, %mul3A_310 : i32
          %add3A_312 = arith.constant 0 : i32
          %add3A_313 = arith.addi %add3A_312, %mul3A_311 : i32
          %mul3A_314 = arith.constant 16 : i32
          %mul3A_315 = arith.muli %add3A_313, %mul3A_314 : i32
          %multiple_of3A_316 = tpu.assume_multiple %mul3A_315, 16 : i32
          %get3A_317 = arith.index_cast %add3A_287 : i32 to index
          %get3A_318 = arith.index_cast %multiple_of3A_316 : i32 to index
          %get3A_319 = tpu.vector_load %arg11[%get3A_317, %get3A_318] {strides = array<i32>} : memref<8x1024xf32, #tpu.memory_space<vmem>>, vector<1x16xf32>,
          %get3A_320 = vector.shape_cast %get3A_319 : vector<1x16xf32> to vector<16xf32>
          %swap3A_321 = arith.index_cast %add3A_287 : i32 to index
          %swap3A_322 = arith.index_cast %multiple_of3A_316 : i32 to index
          %swap3A_323 = tpu.vector_load %arg17[%swap3A_321, %swap3A_322] {strides = array<i32>} : memref<8x1024xf32, #tpu.memory_space<vmem>>, vector<1x16xf32>,
          %swap3A_324 = vector.shape_cast %swap3A_323 : vector<1x16xf32> to vector<16xf32>
          %swap3A_325 = vector.shape_cast %get3A_320 : vector<16xf32> to vector<1x16xf32>
          tpu.vector_store %arg17[%swap3A_321, %swap3A_322], %swap3A_325 {add = true, strides = array<i32>} : memref<8x1024xf32, #tpu.memory_space<vmem>>, vector<1x16xf32>,
          %scan3A_326 = arith.constant 2 : i32
          %scan3A_327 = arith.addi %scan3A_293, %scan3A_326 : i32
          %mul3A_328 = arith.constant 1 : i32
          %mul3A_329 = arith.muli %scan3A_327, %mul3A_328 : i32
          %add3A_330 = arith.constant 0 : i32
          %add3A_331 = arith.addi %add3A_330, %mul3A_329 : i32
          %mul3A_332 = arith.constant 16 : i32
          %mul3A_333 = arith.muli %add3A_331, %mul3A_332 : i32
          %multiple_of3A_334 = tpu.assume_multiple %mul3A_333, 16 : i32
          %get3A_335 = arith.index_cast %add3A_287 : i32 to index
          %get3A_336 = arith.index_cast %multiple_of3A_334 : i32 to index
          %get3A_337 = tpu.vector_load %arg11[%get3A_335, %get3A_336] {strides = array<i32>} : memref<8x1024xf32, #tpu.memory_space<vmem>>, vector<1x16xf32>,
          %get3A_338 = vector.shape_cast %get3A_337 : vector<1x16xf32> to vector<16xf32>
          %swap3A_339 = arith.index_cast %add3A_287 : i32 to index
          %swap3A_340 = arith.index_cast %multiple_of3A_334 : i32 to index
          %swap3A_341 = tpu.vector_load %arg17[%swap3A_339, %swap3A_340] {strides = array<i32>} : memref<8x1024xf32, #tpu.memory_space<vmem>>, vector<1x16xf32>,
          %swap3A_342 = vector.shape_cast %swap3A_341 : vector<1x16xf32> to vector<16xf32>
          %swap3A_343 = vector.shape_cast %get3A_338 : vector<16xf32> to vector<1x16xf32>
          tpu.vector_store %arg17[%swap3A_339, %swap3A_340], %swap3A_343 {add = true, strides = array<i32>} : memref<8x1024xf32, #tpu.memory_space<vmem>>, vector<1x16xf32>,
          %scan3A_344 = arith.constant 3 : i32
          %scan3A_345 = arith.addi %scan3A_293, %scan3A_344 : i32
          %mul3A_346 = arith.constant 1 : i32
          %mul3A_347 = arith.muli %scan3A_345, %mul3A_346 : i32
          %add3A_348 = arith.constant 0 : i32
          %add3A_349 = arith.addi %add3A_348, %mul3A_347 : i32
          %mul3A_350 = arith.constant 16 : i32
          %mul3A_351 = arith.muli %add3A_349, %mul3A_350 : i32
          %multiple_of3A_352 = tpu.assume_multiple %mul3A_351, 16 : i32
          %get3A_353 = arith.index_cast %add3A_287 : i32 to index
          %get3A_354 = arith.index_cast %multiple_of3A_352 : i32 to index
          %get3A_355 = tpu.vector_load %arg11[%get3A_353, %get3A_354] {strides = array<i32>} : memref<8x1024xf32, #tpu.memory_space<vmem>>, vector<1x16xf32>,
          %get3A_356 = vector.shape_cast %get3A_355 : vector<1x16xf32> to vector<16xf32>
          %swap3A_357 = arith.index_cast %add3A_287 : i32 to index
          %swap3A_358 = arith.index_cast %multiple_of3A_352 : i32 to index
          %swap3A_359 = tpu.vector_load %arg17[%swap3A_357, %swap3A_358] {strides = array<i32>} : memref<8x1024xf32, #tpu.memory_space<vmem>>, vector<1x16xf32>,
          %swap3A_360 = vector.shape_cast %swap3A_359 : vector<1x16xf32> to vector<16xf32>
          %swap3A_361 = vector.shape_cast %get3A_356 : vector<16xf32> to vector<1x16xf32>
          tpu.vector_store %arg17[%swap3A_357, %swap3A_358], %swap3A_361 {add = true, strides = array<i32>} : memref<8x1024xf32, #tpu.memory_space<vmem>>, vector<1x16xf32>,
          %scan3A_362 = arith.constant 4 : i32
          %scan3A_363 = arith.addi %scan3A_293, %scan3A_362 : i32
          %mul3A_364 = arith.constant 1 : i32
          %mul3A_365 = arith.muli %scan3A_363, %mul3A_364 : i32
          %add3A_366 = arith.constant 0 : i32
          %add3A_367 = arith.addi %add3A_366, %mul3A_365 : i32
          %mul3A_368 = arith.constant 16 : i32
          %mul3A_369 = arith.muli %add3A_367, %mul3A_368 : i32
          %multiple_of3A_370 = tpu.assume_multiple %mul3A_369, 16 : i32
          %get3A_371 = arith.index_cast %add3A_287 : i32 to index
          %get3A_372 = arith.index_cast %multiple_of3A_370 : i32 to index
          %get3A_373 = tpu.vector_load %arg11[%get3A_371, %get3A_372] {strides = array<i32>} : memref<8x1024xf32, #tpu.memory_space<vmem>>, vector<1x16xf32>,
          %get3A_374 = vector.shape_cast %get3A_373 : vector<1x16xf32> to vector<16xf32>
          %swap3A_375 = arith.index_cast %add3A_287 : i32 to index
          %swap3A_376 = arith.index_cast %multiple_of3A_370 : i32 to index
          %swap3A_377 = tpu.vector_load %arg17[%swap3A_375, %swap3A_376] {strides = array<i32>} : memref<8x1024xf32, #tpu.memory_space<vmem>>, vector<1x16xf32>,
          %swap3A_378 = vector.shape_cast %swap3A_377 : vector<1x16xf32> to vector<16xf32>
          %swap3A_379 = vector.shape_cast %get3A_374 : vector<16xf32> to vector<1x16xf32>
          tpu.vector_store %arg17[%swap3A_375, %swap3A_376], %swap3A_379 {add = true, strides = array<i32>} : memref<8x1024xf32, #tpu.memory_space<vmem>>, vector<1x16xf32>,
          %scan3A_380 = arith.constant 5 : i32
          %scan3A_381 = arith.addi %scan3A_293, %scan3A_380 : i32
          %mul3A_382 = arith.constant 1 : i32
          %mul3A_383 = arith.muli %scan3A_381, %mul3A_382 : i32
          %add3A_384 = arith.constant 0 : i32
          %add3A_385 = arith.addi %add3A_384, %mul3A_383 : i32
          %mul3A_386 = arith.constant 16 : i32
          %mul3A_387 = arith.muli %add3A_385, %mul3A_386 : i32
          %multiple_of3A_388 = tpu.assume_multiple %mul3A_387, 16 : i32
          %get3A_389 = arith.index_cast %add3A_287 : i32 to index
          %get3A_390 = arith.index_cast %multiple_of3A_388 : i32 to index
          %get3A_391 = tpu.vector_load %arg11[%get3A_389, %get3A_390] {strides = array<i32>} : memref<8x1024xf32, #tpu.memory_space<vmem>>, vector<1x16xf32>,
          %get3A_392 = vector.shape_cast %get3A_391 : vector<1x16xf32> to vector<16xf32>
          %swap3A_393 = arith.index_cast %add3A_287 : i32 to index
          %swap3A_394 = arith.index_cast %multiple_of3A_388 : i32 to index
          %swap3A_395 = tpu.vector_load %arg17[%swap3A_393, %swap3A_394] {strides = array<i32>} : memref<8x1024xf32, #tpu.memory_space<vmem>>, vector<1x16xf32>,
          %swap3A_396 = vector.shape_cast %swap3A_395 : vector<1x16xf32> to vector<16xf32>
          %swap3A_397 = vector.shape_cast %get3A_392 : vector<16xf32> to vector<1x16xf32>
          tpu.vector_store %arg17[%swap3A_393, %swap3A_394], %swap3A_397 {add = true, strides = array<i32>} : memref<8x1024xf32, #tpu.memory_space<vmem>>, vector<1x16xf32>,
          %scan3A_398 = arith.constant 6 : i32
          %scan3A_399 = arith.addi %scan3A_293, %scan3A_398 : i32
          %mul3A_400 = arith.constant 1 : i32
          %mul3A_401 = arith.muli %scan3A_399, %mul3A_400 : i32
          %add3A_402 = arith.constant 0 : i32
          %add3A_403 = arith.addi %add3A_402, %mul3A_401 : i32
          %mul3A_404 = arith.constant 16 : i32
          %mul3A_405 = arith.muli %add3A_403, %mul3A_404 : i32
          %multiple_of3A_406 = tpu.assume_multiple %mul3A_405, 16 : i32
          %get3A_407 = arith.index_cast %add3A_287 : i32 to index
          %get3A_408 = arith.index_cast %multiple_of3A_406 : i32 to index
          %get3A_409 = tpu.vector_load %arg11[%get3A_407, %get3A_408] {strides = array<i32>} : memref<8x1024xf32, #tpu.memory_space<vmem>>, vector<1x16xf32>,
          %get3A_410 = vector.shape_cast %get3A_409 : vector<1x16xf32> to vector<16xf32>
          %swap3A_411 = arith.index_cast %add3A_287 : i32 to index
          %swap3A_412 = arith.index_cast %multiple_of3A_406 : i32 to index
          %swap3A_413 = tpu.vector_load %arg17[%swap3A_411, %swap3A_412] {strides = array<i32>} : memref<8x1024xf32, #tpu.memory_space<vmem>>, vector<1x16xf32>,
          %swap3A_414 = vector.shape_cast %swap3A_413 : vector<1x16xf32> to vector<16xf32>
          %swap3A_415 = vector.shape_cast %get3A_410 : vector<16xf32> to vector<1x16xf32>
          tpu.vector_store %arg17[%swap3A_411, %swap3A_412], %swap3A_415 {add = true, strides = array<i32>} : memref<8x1024xf32, #tpu.memory_space<vmem>>, vector<1x16xf32>,
          %scan3A_416 = arith.constant 7 : i32
          %scan3A_417 = arith.addi %scan3A_293, %scan3A_416 : i32
          %mul3A_418 = arith.constant 1 : i32
          %mul3A_419 = arith.muli %scan3A_417, %mul3A_418 : i32
          %add3A_420 = arith.constant 0 : i32
          %add3A_421 = arith.addi %add3A_420, %mul3A_419 : i32
          %mul3A_422 = arith.constant 16 : i32
          %mul3A_423 = arith.muli %add3A_421, %mul3A_422 : i32
          %multiple_of3A_424 = tpu.assume_multiple %mul3A_423, 16 : i32
          %get3A_425 = arith.index_cast %add3A_287 : i32 to index
          %get3A_426 = arith.index_cast %multiple_of3A_424 : i32 to index
          %get3A_427 = tpu.vector_load %arg11[%get3A_425, %get3A_426] {strides = array<i32>} : memref<8x1024xf32, #tpu.memory_space<vmem>>, vector<1x16xf32>,
          %get3A_428 = vector.shape_cast %get3A_427 : vector<1x16xf32> to vector<16xf32>
          %swap3A_429 = arith.index_cast %add3A_287 : i32 to index
          %swap3A_430 = arith.index_cast %multiple_of3A_424 : i32 to index
          %swap3A_431 = tpu.vector_load %arg17[%swap3A_429, %swap3A_430] {strides = array<i32>} : memref<8x1024xf32, #tpu.memory_space<vmem>>, vector<1x16xf32>,
          %swap3A_432 = vector.shape_cast %swap3A_431 : vector<1x16xf32> to vector<16xf32>
          %swap3A_433 = vector.shape_cast %get3A_428 : vector<16xf32> to vector<1x16xf32>
          tpu.vector_store %arg17[%swap3A_429, %swap3A_430], %swap3A_433 {add = true, strides = array<i32>} : memref<8x1024xf32, #tpu.memory_space<vmem>>, vector<1x16xf32>,
        }
        %scan3A_292 = arith.constant 64 : i32
      }
      %scan3A_262 = arith.constant 8 : i32
      %mul3A_263 = arith.constant 6 : i32
      %mul3A_264 = arith.muli %add3A_87, %mul3A_263 : i32
      %add3A_265 = arith.constant 5 : i32
      %add3A_266 = arith.addi %mul3A_264, %add3A_265 : i32
      %lt3A = arith.constant 20 : i32
      %lt3A_267 = arith.cmpi slt, %add3A_87, %lt3A : i32
      %convert_element_type3A = arith.extui %lt3A_267 : i1 to i32
      %cond3A = arith.constant 0 : i32
      %cond3A_268 = arith.cmpi ne, %convert_element_type3A, %cond3A : i32
      scf.if %cond3A_268 {
        %add3A_283 = arith.constant 3 : i32
        %add3A_284 = arith.addi %add3A_266, %add3A_283 : i32
        %mul3A_285 = arith.constant 8 : i32
        %mul3A_286 = arith.muli %add3A_284, %mul3A_285 : i32
        %multiple_of3A_287 = tpu.assume_multiple %mul3A_286, 8 : i32
        %mul3A_288 = arith.constant 8 : i32
        %mul3A_289 = arith.muli %add3A_284, %mul3A_288 : i32
        %add3A_290 = arith.addi %multiple_of3A, %mul3A_289 : i32
        %multiple_of3A_291 = tpu.assume_multiple %add3A_290, 8 : i32
        %dma_start3A_292 = tpu.memref_slice %arg6[%multiple_of3A_287] : memref<1024xi32, #tpu.memory_space<vmem>> -> memref<8xi32, #tpu.memory_space<vmem>>
        %dma_start3A_293 = arith.constant 0 : i32
        %dma_start3A_294 = arith.constant 0 : i32
        %dma_start3A_295 = tpu.memref_slice %arg4[%dma_start3A_293, %dma_start3A_294] : memref<100000x1024xf32, #tpu.memory_space<hbm>> -> memref<100000x1024xf32, #tpu.memory_space<hbm>>
        tpu.enqueue_indirect_dma source(%dma_start3A_295 : memref<100000x1024xf32, #tpu.memory_space<hbm>>) target(%arg15 : memref<8x1024xf32, #tpu.memory_space<vmem>>) offsets(%dma_start3A_292 : memref<8xi32, #tpu.memory_space<vmem>>) semaphore(%arg21 : memref<!tpu.dma_semaphore, #tpu.memory_space<semaphore_mem>>)
        %dma_start3A_296 = arith.constant 0 : i32
        %dma_start3A_297 = tpu.memref_slice %arg2[%multiple_of3A_291, %dma_start3A_296] : memref<32768x1024xf32, #tpu.memory_space<hbm>> -> memref<8x1024xf32, #tpu.memory_space<hbm>>
        %dma_start3A_298 = arith.constant 0 : i32
        %dma_start3A_299 = tpu.memref_slice %arg2[%multiple_of3A_291, %dma_start3A_298] : memref<32768x1024xf32, #tpu.memory_space<hbm>> -> memref<8x1024xf32, #tpu.memory_space<hbm>>
        tpu.enqueue_dma source(%dma_start3A_299 : memref<8x1024xf32, #tpu.memory_space<hbm>>) target(%arg9 : memref<8x1024xf32, #tpu.memory_space<vmem>>) target_semaphore(%arg21 : memref<!tpu.dma_semaphore, #tpu.memory_space<semaphore_mem>>)
      } else {
      }
      %dma_wait3A_269 = arith.constant 0 : i32
      %dma_wait3A_270 = tpu.memref_slice %arg6[%dma_wait3A_269] : memref<1024xi32, #tpu.memory_space<vmem>> -> memref<8xi32, #tpu.memory_space<vmem>>
      %dma_wait3A_271 = arith.constant 0 : i32
      %dma_wait3A_272 = arith.constant 0 : i32
      %dma_wait3A_273 = tpu.memref_slice %arg4[%dma_wait3A_271, %dma_wait3A_272] : memref<100000x1024xf32, #tpu.memory_space<hbm>> -> memref<100000x1024xf32, #tpu.memory_space<hbm>>
      tpu.wait_indirect_dma semaphore(%arg24 : memref<!tpu.dma_semaphore, #tpu.memory_space<semaphore_mem>>) src(%dma_wait3A_273 : memref<100000x1024xf32, #tpu.memory_space<hbm>>) dst(%arg18 : memref<8x1024xf32, #tpu.memory_space<vmem>>)
      %dma_wait3A_274 = arith.constant 0 : i32
      %dma_wait3A_275 = tpu.memref_slice %arg2[%multiple_of3A, %dma_wait3A_274] : memref<32768x1024xf32, #tpu.memory_space<hbm>> -> memref<8x1024xf32, #tpu.memory_space<hbm>>
      %dma_wait3A_276 = arith.constant 0 : i32
      %dma_wait3A_277 = tpu.memref_slice %arg2[%multiple_of3A, %dma_wait3A_276] : memref<32768x1024xf32, #tpu.memory_space<hbm>> -> memref<8x1024xf32, #tpu.memory_space<hbm>>
      tpu.wait_dma2 semaphore(%arg24 : memref<!tpu.dma_semaphore, #tpu.memory_space<semaphore_mem>>) src(%dma_wait3A_277 : memref<8x1024xf32, #tpu.memory_space<hbm>>) dst(%arg12 : memref<8x1024xf32, #tpu.memory_space<vmem>>)
      %scan3A_278 = arith.constant 0 : i32
      %scan3A_279 = arith.constant 8 : i32
      %scan3A_280 = arith.addi %scan3A_278, %scan3A_279 : i32
      %scan3A_281 = arith.constant 1 : i32
      scf.for %scan3A_283 = %scan3A_278 to %scan3A_280 step %scan3A_281  : i32 {
        %mul3A_284 = arith.constant 1 : i32
        %mul3A_285 = arith.muli %scan3A_283, %mul3A_284 : i32
        %add3A_286 = arith.constant 0 : i32
        %add3A_287 = arith.addi %add3A_286, %mul3A_285 : i32
        %scan3A_288 = arith.constant 0 : i32
        %scan3A_289 = arith.constant 64 : i32
        %scan3A_290 = arith.addi %scan3A_288, %scan3A_289 : i32
        %scan3A_291 = arith.constant 8 : i32
        scf.for %scan3A_293 = %scan3A_288 to %scan3A_290 step %scan3A_291  : i32 {
          %mul3A_294 = arith.constant 1 : i32
          %mul3A_295 = arith.muli %scan3A_293, %mul3A_294 : i32
          %add3A_296 = arith.constant 0 : i32
          %add3A_297 = arith.addi %add3A_296, %mul3A_295 : i32
          %mul3A_298 = arith.constant 16 : i32
          %mul3A_299 = arith.muli %add3A_297, %mul3A_298 : i32
          %multiple_of3A_300 = tpu.assume_multiple %mul3A_299, 16 : i32
          %get3A = arith.index_cast %add3A_287 : i32 to index
          %get3A_301 = arith.index_cast %multiple_of3A_300 : i32 to index
          %get3A_302 = tpu.vector_load %arg12[%get3A, %get3A_301] {strides = array<i32>} : memref<8x1024xf32, #tpu.memory_space<vmem>>, vector<1x16xf32>,
          %get3A_303 = vector.shape_cast %get3A_302 : vector<1x16xf32> to vector<16xf32>
          %swap3A = arith.index_cast %add3A_287 : i32 to index
          %swap3A_304 = arith.index_cast %multiple_of3A_300 : i32 to index
          %swap3A_305 = tpu.vector_load %arg18[%swap3A, %swap3A_304] {strides = array<i32>} : memref<8x1024xf32, #tpu.memory_space<vmem>>, vector<1x16xf32>,
          %swap3A_306 = vector.shape_cast %swap3A_305 : vector<1x16xf32> to vector<16xf32>
          %swap3A_307 = vector.shape_cast %get3A_303 : vector<16xf32> to vector<1x16xf32>
          tpu.vector_store %arg18[%swap3A, %swap3A_304], %swap3A_307 {add = true, strides = array<i32>} : memref<8x1024xf32, #tpu.memory_space<vmem>>, vector<1x16xf32>,
          %scan3A_308 = arith.constant 1 : i32
          %scan3A_309 = arith.addi %scan3A_293, %scan3A_308 : i32
          %mul3A_310 = arith.constant 1 : i32
          %mul3A_311 = arith.muli %scan3A_309, %mul3A_310 : i32
          %add3A_312 = arith.constant 0 : i32
          %add3A_313 = arith.addi %add3A_312, %mul3A_311 : i32
          %mul3A_314 = arith.constant 16 : i32
          %mul3A_315 = arith.muli %add3A_313, %mul3A_314 : i32
          %multiple_of3A_316 = tpu.assume_multiple %mul3A_315, 16 : i32
          %get3A_317 = arith.index_cast %add3A_287 : i32 to index
          %get3A_318 = arith.index_cast %multiple_of3A_316 : i32 to index
          %get3A_319 = tpu.vector_load %arg12[%get3A_317, %get3A_318] {strides = array<i32>} : memref<8x1024xf32, #tpu.memory_space<vmem>>, vector<1x16xf32>,
          %get3A_320 = vector.shape_cast %get3A_319 : vector<1x16xf32> to vector<16xf32>
          %swap3A_321 = arith.index_cast %add3A_287 : i32 to index
          %swap3A_322 = arith.index_cast %multiple_of3A_316 : i32 to index
          %swap3A_323 = tpu.vector_load %arg18[%swap3A_321, %swap3A_322] {strides = array<i32>} : memref<8x1024xf32, #tpu.memory_space<vmem>>, vector<1x16xf32>,
          %swap3A_324 = vector.shape_cast %swap3A_323 : vector<1x16xf32> to vector<16xf32>
          %swap3A_325 = vector.shape_cast %get3A_320 : vector<16xf32> to vector<1x16xf32>
          tpu.vector_store %arg18[%swap3A_321, %swap3A_322], %swap3A_325 {add = true, strides = array<i32>} : memref<8x1024xf32, #tpu.memory_space<vmem>>, vector<1x16xf32>,
          %scan3A_326 = arith.constant 2 : i32
          %scan3A_327 = arith.addi %scan3A_293, %scan3A_326 : i32
          %mul3A_328 = arith.constant 1 : i32
          %mul3A_329 = arith.muli %scan3A_327, %mul3A_328 : i32
          %add3A_330 = arith.constant 0 : i32
          %add3A_331 = arith.addi %add3A_330, %mul3A_329 : i32
          %mul3A_332 = arith.constant 16 : i32
          %mul3A_333 = arith.muli %add3A_331, %mul3A_332 : i32
          %multiple_of3A_334 = tpu.assume_multiple %mul3A_333, 16 : i32
          %get3A_335 = arith.index_cast %add3A_287 : i32 to index
          %get3A_336 = arith.index_cast %multiple_of3A_334 : i32 to index
          %get3A_337 = tpu.vector_load %arg12[%get3A_335, %get3A_336] {strides = array<i32>} : memref<8x1024xf32, #tpu.memory_space<vmem>>, vector<1x16xf32>,
          %get3A_338 = vector.shape_cast %get3A_337 : vector<1x16xf32> to vector<16xf32>
          %swap3A_339 = arith.index_cast %add3A_287 : i32 to index
          %swap3A_340 = arith.index_cast %multiple_of3A_334 : i32 to index
          %swap3A_341 = tpu.vector_load %arg18[%swap3A_339, %swap3A_340] {strides = array<i32>} : memref<8x1024xf32, #tpu.memory_space<vmem>>, vector<1x16xf32>,
          %swap3A_342 = vector.shape_cast %swap3A_341 : vector<1x16xf32> to vector<16xf32>
          %swap3A_343 = vector.shape_cast %get3A_338 : vector<16xf32> to vector<1x16xf32>
          tpu.vector_store %arg18[%swap3A_339, %swap3A_340], %swap3A_343 {add = true, strides = array<i32>} : memref<8x1024xf32, #tpu.memory_space<vmem>>, vector<1x16xf32>,
          %scan3A_344 = arith.constant 3 : i32
          %scan3A_345 = arith.addi %scan3A_293, %scan3A_344 : i32
          %mul3A_346 = arith.constant 1 : i32
          %mul3A_347 = arith.muli %scan3A_345, %mul3A_346 : i32
          %add3A_348 = arith.constant 0 : i32
          %add3A_349 = arith.addi %add3A_348, %mul3A_347 : i32
          %mul3A_350 = arith.constant 16 : i32
          %mul3A_351 = arith.muli %add3A_349, %mul3A_350 : i32
          %multiple_of3A_352 = tpu.assume_multiple %mul3A_351, 16 : i32
          %get3A_353 = arith.index_cast %add3A_287 : i32 to index
          %get3A_354 = arith.index_cast %multiple_of3A_352 : i32 to index
          %get3A_355 = tpu.vector_load %arg12[%get3A_353, %get3A_354] {strides = array<i32>} : memref<8x1024xf32, #tpu.memory_space<vmem>>, vector<1x16xf32>,
          %get3A_356 = vector.shape_cast %get3A_355 : vector<1x16xf32> to vector<16xf32>
          %swap3A_357 = arith.index_cast %add3A_287 : i32 to index
          %swap3A_358 = arith.index_cast %multiple_of3A_352 : i32 to index
          %swap3A_359 = tpu.vector_load %arg18[%swap3A_357, %swap3A_358] {strides = array<i32>} : memref<8x1024xf32, #tpu.memory_space<vmem>>, vector<1x16xf32>,
          %swap3A_360 = vector.shape_cast %swap3A_359 : vector<1x16xf32> to vector<16xf32>
          %swap3A_361 = vector.shape_cast %get3A_356 : vector<16xf32> to vector<1x16xf32>
          tpu.vector_store %arg18[%swap3A_357, %swap3A_358], %swap3A_361 {add = true, strides = array<i32>} : memref<8x1024xf32, #tpu.memory_space<vmem>>, vector<1x16xf32>,
          %scan3A_362 = arith.constant 4 : i32
          %scan3A_363 = arith.addi %scan3A_293, %scan3A_362 : i32
          %mul3A_364 = arith.constant 1 : i32
          %mul3A_365 = arith.muli %scan3A_363, %mul3A_364 : i32
          %add3A_366 = arith.constant 0 : i32
          %add3A_367 = arith.addi %add3A_366, %mul3A_365 : i32
          %mul3A_368 = arith.constant 16 : i32
          %mul3A_369 = arith.muli %add3A_367, %mul3A_368 : i32
          %multiple_of3A_370 = tpu.assume_multiple %mul3A_369, 16 : i32
          %get3A_371 = arith.index_cast %add3A_287 : i32 to index
          %get3A_372 = arith.index_cast %multiple_of3A_370 : i32 to index
          %get3A_373 = tpu.vector_load %arg12[%get3A_371, %get3A_372] {strides = array<i32>} : memref<8x1024xf32, #tpu.memory_space<vmem>>, vector<1x16xf32>,
          %get3A_374 = vector.shape_cast %get3A_373 : vector<1x16xf32> to vector<16xf32>
          %swap3A_375 = arith.index_cast %add3A_287 : i32 to index
          %swap3A_376 = arith.index_cast %multiple_of3A_370 : i32 to index
          %swap3A_377 = tpu.vector_load %arg18[%swap3A_375, %swap3A_376] {strides = array<i32>} : memref<8x1024xf32, #tpu.memory_space<vmem>>, vector<1x16xf32>,
          %swap3A_378 = vector.shape_cast %swap3A_377 : vector<1x16xf32> to vector<16xf32>
          %swap3A_379 = vector.shape_cast %get3A_374 : vector<16xf32> to vector<1x16xf32>
          tpu.vector_store %arg18[%swap3A_375, %swap3A_376], %swap3A_379 {add = true, strides = array<i32>} : memref<8x1024xf32, #tpu.memory_space<vmem>>, vector<1x16xf32>,
          %scan3A_380 = arith.constant 5 : i32
          %scan3A_381 = arith.addi %scan3A_293, %scan3A_380 : i32
          %mul3A_382 = arith.constant 1 : i32
          %mul3A_383 = arith.muli %scan3A_381, %mul3A_382 : i32
          %add3A_384 = arith.constant 0 : i32
          %add3A_385 = arith.addi %add3A_384, %mul3A_383 : i32
          %mul3A_386 = arith.constant 16 : i32
          %mul3A_387 = arith.muli %add3A_385, %mul3A_386 : i32
          %multiple_of3A_388 = tpu.assume_multiple %mul3A_387, 16 : i32
          %get3A_389 = arith.index_cast %add3A_287 : i32 to index
          %get3A_390 = arith.index_cast %multiple_of3A_388 : i32 to index
          %get3A_391 = tpu.vector_load %arg12[%get3A_389, %get3A_390] {strides = array<i32>} : memref<8x1024xf32, #tpu.memory_space<vmem>>, vector<1x16xf32>,
          %get3A_392 = vector.shape_cast %get3A_391 : vector<1x16xf32> to vector<16xf32>
          %swap3A_393 = arith.index_cast %add3A_287 : i32 to index
          %swap3A_394 = arith.index_cast %multiple_of3A_388 : i32 to index
          %swap3A_395 = tpu.vector_load %arg18[%swap3A_393, %swap3A_394] {strides = array<i32>} : memref<8x1024xf32, #tpu.memory_space<vmem>>, vector<1x16xf32>,
          %swap3A_396 = vector.shape_cast %swap3A_395 : vector<1x16xf32> to vector<16xf32>
          %swap3A_397 = vector.shape_cast %get3A_392 : vector<16xf32> to vector<1x16xf32>
          tpu.vector_store %arg18[%swap3A_393, %swap3A_394], %swap3A_397 {add = true, strides = array<i32>} : memref<8x1024xf32, #tpu.memory_space<vmem>>, vector<1x16xf32>,
          %scan3A_398 = arith.constant 6 : i32
          %scan3A_399 = arith.addi %scan3A_293, %scan3A_398 : i32
          %mul3A_400 = arith.constant 1 : i32
          %mul3A_401 = arith.muli %scan3A_399, %mul3A_400 : i32
          %add3A_402 = arith.constant 0 : i32
          %add3A_403 = arith.addi %add3A_402, %mul3A_401 : i32
          %mul3A_404 = arith.constant 16 : i32
          %mul3A_405 = arith.muli %add3A_403, %mul3A_404 : i32
          %multiple_of3A_406 = tpu.assume_multiple %mul3A_405, 16 : i32
          %get3A_407 = arith.index_cast %add3A_287 : i32 to index
          %get3A_408 = arith.index_cast %multiple_of3A_406 : i32 to index
          %get3A_409 = tpu.vector_load %arg12[%get3A_407, %get3A_408] {strides = array<i32>} : memref<8x1024xf32, #tpu.memory_space<vmem>>, vector<1x16xf32>,
          %get3A_410 = vector.shape_cast %get3A_409 : vector<1x16xf32> to vector<16xf32>
          %swap3A_411 = arith.index_cast %add3A_287 : i32 to index
          %swap3A_412 = arith.index_cast %multiple_of3A_406 : i32 to index
          %swap3A_413 = tpu.vector_load %arg18[%swap3A_411, %swap3A_412] {strides = array<i32>} : memref<8x1024xf32, #tpu.memory_space<vmem>>, vector<1x16xf32>,
          %swap3A_414 = vector.shape_cast %swap3A_413 : vector<1x16xf32> to vector<16xf32>
          %swap3A_415 = vector.shape_cast %get3A_410 : vector<16xf32> to vector<1x16xf32>
          tpu.vector_store %arg18[%swap3A_411, %swap3A_412], %swap3A_415 {add = true, strides = array<i32>} : memref<8x1024xf32, #tpu.memory_space<vmem>>, vector<1x16xf32>,
          %scan3A_416 = arith.constant 7 : i32
          %scan3A_417 = arith.addi %scan3A_293, %scan3A_416 : i32
          %mul3A_418 = arith.constant 1 : i32
          %mul3A_419 = arith.muli %scan3A_417, %mul3A_418 : i32
          %add3A_420 = arith.constant 0 : i32
          %add3A_421 = arith.addi %add3A_420, %mul3A_419 : i32
          %mul3A_422 = arith.constant 16 : i32
          %mul3A_423 = arith.muli %add3A_421, %mul3A_422 : i32
          %multiple_of3A_424 = tpu.assume_multiple %mul3A_423, 16 : i32
          %get3A_425 = arith.index_cast %add3A_287 : i32 to index
          %get3A_426 = arith.index_cast %multiple_of3A_424 : i32 to index
          %get3A_427 = tpu.vector_load %arg12[%get3A_425, %get3A_426] {strides = array<i32>} : memref<8x1024xf32, #tpu.memory_space<vmem>>, vector<1x16xf32>,
          %get3A_428 = vector.shape_cast %get3A_427 : vector<1x16xf32> to vector<16xf32>
          %swap3A_429 = arith.index_cast %add3A_287 : i32 to index
          %swap3A_430 = arith.index_cast %multiple_of3A_424 : i32 to index
          %swap3A_431 = tpu.vector_load %arg18[%swap3A_429, %swap3A_430] {strides = array<i32>} : memref<8x1024xf32, #tpu.memory_space<vmem>>, vector<1x16xf32>,
          %swap3A_432 = vector.shape_cast %swap3A_431 : vector<1x16xf32> to vector<16xf32>
          %swap3A_433 = vector.shape_cast %get3A_428 : vector<16xf32> to vector<1x16xf32>
          tpu.vector_store %arg18[%swap3A_429, %swap3A_430], %swap3A_433 {add = true, strides = array<i32>} : memref<8x1024xf32, #tpu.memory_space<vmem>>, vector<1x16xf32>,
        }
        %scan3A_292 = arith.constant 64 : i32
      }
      %scan3A_282 = arith.constant 8 : i32
    }
    %scan3A_44 = arith.constant 21 : i32
    %dma_wait3A = arith.constant 0 : i32
    %dma_wait3A_45 = tpu.memref_slice %arg6[%dma_wait3A] : memref<1024xi32, #tpu.memory_space<vmem>> -> memref<8xi32, #tpu.memory_space<vmem>>
    %dma_wait3A_46 = arith.constant 0 : i32
    %dma_wait3A_47 = arith.constant 0 : i32
    %dma_wait3A_48 = tpu.memref_slice %arg4[%dma_wait3A_46, %dma_wait3A_47] : memref<100000x1024xf32, #tpu.memory_space<hbm>> -> memref<100000x1024xf32, #tpu.memory_space<hbm>>
    tpu.wait_indirect_dma semaphore(%arg19 : memref<!tpu.dma_semaphore, #tpu.memory_space<semaphore_mem>>) src(%dma_wait3A_48 : memref<100000x1024xf32, #tpu.memory_space<hbm>>) dst(%arg13 : memref<8x1024xf32, #tpu.memory_space<vmem>>)
    %dma_wait3A_49 = arith.constant 0 : i32
    %dma_wait3A_50 = tpu.memref_slice %arg2[%multiple_of3A, %dma_wait3A_49] : memref<32768x1024xf32, #tpu.memory_space<hbm>> -> memref<8x1024xf32, #tpu.memory_space<hbm>>
    %dma_wait3A_51 = arith.constant 0 : i32
    %dma_wait3A_52 = tpu.memref_slice %arg2[%multiple_of3A, %dma_wait3A_51] : memref<32768x1024xf32, #tpu.memory_space<hbm>> -> memref<8x1024xf32, #tpu.memory_space<hbm>>
    tpu.wait_dma2 semaphore(%arg19 : memref<!tpu.dma_semaphore, #tpu.memory_space<semaphore_mem>>) src(%dma_wait3A_52 : memref<8x1024xf32, #tpu.memory_space<hbm>>) dst(%arg7 : memref<8x1024xf32, #tpu.memory_space<vmem>>)
    %scan3A_53 = arith.constant 0 : i32
    %scan3A_54 = arith.constant 8 : i32
    %scan3A_55 = arith.addi %scan3A_53, %scan3A_54 : i32
    %scan3A_56 = arith.constant 1 : i32
    scf.for %scan3A_83 = %scan3A_53 to %scan3A_55 step %scan3A_56  : i32 {
      %mul3A_84 = arith.constant 1 : i32
      %mul3A_85 = arith.muli %scan3A_83, %mul3A_84 : i32
      %add3A_86 = arith.constant 0 : i32
      %add3A_87 = arith.addi %add3A_86, %mul3A_85 : i32
      %scan3A_88 = arith.constant 0 : i32
      %scan3A_89 = arith.constant 64 : i32
      %scan3A_90 = arith.addi %scan3A_88, %scan3A_89 : i32
      %scan3A_91 = arith.constant 8 : i32
      scf.for %scan3A_93 = %scan3A_88 to %scan3A_90 step %scan3A_91  : i32 {
        %mul3A_94 = arith.constant 1 : i32
        %mul3A_95 = arith.muli %scan3A_93, %mul3A_94 : i32
        %add3A_96 = arith.constant 0 : i32
        %add3A_97 = arith.addi %add3A_96, %mul3A_95 : i32
        %mul3A_98 = arith.constant 16 : i32
        %mul3A_99 = arith.muli %add3A_97, %mul3A_98 : i32
        %multiple_of3A_100 = tpu.assume_multiple %mul3A_99, 16 : i32
        %get3A = arith.index_cast %add3A_87 : i32 to index
        %get3A_101 = arith.index_cast %multiple_of3A_100 : i32 to index
        %get3A_102 = tpu.vector_load %arg7[%get3A, %get3A_101] {strides = array<i32>} : memref<8x1024xf32, #tpu.memory_space<vmem>>, vector<1x16xf32>,
        %get3A_103 = vector.shape_cast %get3A_102 : vector<1x16xf32> to vector<16xf32>
        %swap3A = arith.index_cast %add3A_87 : i32 to index
        %swap3A_104 = arith.index_cast %multiple_of3A_100 : i32 to index
        %swap3A_105 = tpu.vector_load %arg13[%swap3A, %swap3A_104] {strides = array<i32>} : memref<8x1024xf32, #tpu.memory_space<vmem>>, vector<1x16xf32>,
        %swap3A_106 = vector.shape_cast %swap3A_105 : vector<1x16xf32> to vector<16xf32>
        %swap3A_107 = vector.shape_cast %get3A_103 : vector<16xf32> to vector<1x16xf32>
        tpu.vector_store %arg13[%swap3A, %swap3A_104], %swap3A_107 {add = true, strides = array<i32>} : memref<8x1024xf32, #tpu.memory_space<vmem>>, vector<1x16xf32>,
        %scan3A_108 = arith.constant 1 : i32
        %scan3A_109 = arith.addi %scan3A_93, %scan3A_108 : i32
        %mul3A_110 = arith.constant 1 : i32
        %mul3A_111 = arith.muli %scan3A_109, %mul3A_110 : i32
        %add3A_112 = arith.constant 0 : i32
        %add3A_113 = arith.addi %add3A_112, %mul3A_111 : i32
        %mul3A_114 = arith.constant 16 : i32
        %mul3A_115 = arith.muli %add3A_113, %mul3A_114 : i32
        %multiple_of3A_116 = tpu.assume_multiple %mul3A_115, 16 : i32
        %get3A_117 = arith.index_cast %add3A_87 : i32 to index
        %get3A_118 = arith.index_cast %multiple_of3A_116 : i32 to index
        %get3A_119 = tpu.vector_load %arg7[%get3A_117, %get3A_118] {strides = array<i32>} : memref<8x1024xf32, #tpu.memory_space<vmem>>, vector<1x16xf32>,
        %get3A_120 = vector.shape_cast %get3A_119 : vector<1x16xf32> to vector<16xf32>
        %swap3A_121 = arith.index_cast %add3A_87 : i32 to index
        %swap3A_122 = arith.index_cast %multiple_of3A_116 : i32 to index
        %swap3A_123 = tpu.vector_load %arg13[%swap3A_121, %swap3A_122] {strides = array<i32>} : memref<8x1024xf32, #tpu.memory_space<vmem>>, vector<1x16xf32>,
        %swap3A_124 = vector.shape_cast %swap3A_123 : vector<1x16xf32> to vector<16xf32>
        %swap3A_125 = vector.shape_cast %get3A_120 : vector<16xf32> to vector<1x16xf32>
        tpu.vector_store %arg13[%swap3A_121, %swap3A_122], %swap3A_125 {add = true, strides = array<i32>} : memref<8x1024xf32, #tpu.memory_space<vmem>>, vector<1x16xf32>,
        %scan3A_126 = arith.constant 2 : i32
        %scan3A_127 = arith.addi %scan3A_93, %scan3A_126 : i32
        %mul3A_128 = arith.constant 1 : i32
        %mul3A_129 = arith.muli %scan3A_127, %mul3A_128 : i32
        %add3A_130 = arith.constant 0 : i32
        %add3A_131 = arith.addi %add3A_130, %mul3A_129 : i32
        %mul3A_132 = arith.constant 16 : i32
        %mul3A_133 = arith.muli %add3A_131, %mul3A_132 : i32
        %multiple_of3A_134 = tpu.assume_multiple %mul3A_133, 16 : i32
        %get3A_135 = arith.index_cast %add3A_87 : i32 to index
        %get3A_136 = arith.index_cast %multiple_of3A_134 : i32 to index
        %get3A_137 = tpu.vector_load %arg7[%get3A_135, %get3A_136] {strides = array<i32>} : memref<8x1024xf32, #tpu.memory_space<vmem>>, vector<1x16xf32>,
        %get3A_138 = vector.shape_cast %get3A_137 : vector<1x16xf32> to vector<16xf32>
        %swap3A_139 = arith.index_cast %add3A_87 : i32 to index
        %swap3A_140 = arith.index_cast %multiple_of3A_134 : i32 to index
        %swap3A_141 = tpu.vector_load %arg13[%swap3A_139, %swap3A_140] {strides = array<i32>} : memref<8x1024xf32, #tpu.memory_space<vmem>>, vector<1x16xf32>,
        %swap3A_142 = vector.shape_cast %swap3A_141 : vector<1x16xf32> to vector<16xf32>
        %swap3A_143 = vector.shape_cast %get3A_138 : vector<16xf32> to vector<1x16xf32>
        tpu.vector_store %arg13[%swap3A_139, %swap3A_140], %swap3A_143 {add = true, strides = array<i32>} : memref<8x1024xf32, #tpu.memory_space<vmem>>, vector<1x16xf32>,
        %scan3A_144 = arith.constant 3 : i32
        %scan3A_145 = arith.addi %scan3A_93, %scan3A_144 : i32
        %mul3A_146 = arith.constant 1 : i32
        %mul3A_147 = arith.muli %scan3A_145, %mul3A_146 : i32
        %add3A_148 = arith.constant 0 : i32
        %add3A_149 = arith.addi %add3A_148, %mul3A_147 : i32
        %mul3A_150 = arith.constant 16 : i32
        %mul3A_151 = arith.muli %add3A_149, %mul3A_150 : i32
        %multiple_of3A_152 = tpu.assume_multiple %mul3A_151, 16 : i32
        %get3A_153 = arith.index_cast %add3A_87 : i32 to index
        %get3A_154 = arith.index_cast %multiple_of3A_152 : i32 to index
        %get3A_155 = tpu.vector_load %arg7[%get3A_153, %get3A_154] {strides = array<i32>} : memref<8x1024xf32, #tpu.memory_space<vmem>>, vector<1x16xf32>,
        %get3A_156 = vector.shape_cast %get3A_155 : vector<1x16xf32> to vector<16xf32>
        %swap3A_157 = arith.index_cast %add3A_87 : i32 to index
        %swap3A_158 = arith.index_cast %multiple_of3A_152 : i32 to index
        %swap3A_159 = tpu.vector_load %arg13[%swap3A_157, %swap3A_158] {strides = array<i32>} : memref<8x1024xf32, #tpu.memory_space<vmem>>, vector<1x16xf32>,
        %swap3A_160 = vector.shape_cast %swap3A_159 : vector<1x16xf32> to vector<16xf32>
        %swap3A_161 = vector.shape_cast %get3A_156 : vector<16xf32> to vector<1x16xf32>
        tpu.vector_store %arg13[%swap3A_157, %swap3A_158], %swap3A_161 {add = true, strides = array<i32>} : memref<8x1024xf32, #tpu.memory_space<vmem>>, vector<1x16xf32>,
        %scan3A_162 = arith.constant 4 : i32
        %scan3A_163 = arith.addi %scan3A_93, %scan3A_162 : i32
        %mul3A_164 = arith.constant 1 : i32
        %mul3A_165 = arith.muli %scan3A_163, %mul3A_164 : i32
        %add3A_166 = arith.constant 0 : i32
        %add3A_167 = arith.addi %add3A_166, %mul3A_165 : i32
        %mul3A_168 = arith.constant 16 : i32
        %mul3A_169 = arith.muli %add3A_167, %mul3A_168 : i32
        %multiple_of3A_170 = tpu.assume_multiple %mul3A_169, 16 : i32
        %get3A_171 = arith.index_cast %add3A_87 : i32 to index
        %get3A_172 = arith.index_cast %multiple_of3A_170 : i32 to index
        %get3A_173 = tpu.vector_load %arg7[%get3A_171, %get3A_172] {strides = array<i32>} : memref<8x1024xf32, #tpu.memory_space<vmem>>, vector<1x16xf32>,
        %get3A_174 = vector.shape_cast %get3A_173 : vector<1x16xf32> to vector<16xf32>
        %swap3A_175 = arith.index_cast %add3A_87 : i32 to index
        %swap3A_176 = arith.index_cast %multiple_of3A_170 : i32 to index
        %swap3A_177 = tpu.vector_load %arg13[%swap3A_175, %swap3A_176] {strides = array<i32>} : memref<8x1024xf32, #tpu.memory_space<vmem>>, vector<1x16xf32>,
        %swap3A_178 = vector.shape_cast %swap3A_177 : vector<1x16xf32> to vector<16xf32>
        %swap3A_179 = vector.shape_cast %get3A_174 : vector<16xf32> to vector<1x16xf32>
        tpu.vector_store %arg13[%swap3A_175, %swap3A_176], %swap3A_179 {add = true, strides = array<i32>} : memref<8x1024xf32, #tpu.memory_space<vmem>>, vector<1x16xf32>,
        %scan3A_180 = arith.constant 5 : i32
        %scan3A_181 = arith.addi %scan3A_93, %scan3A_180 : i32
        %mul3A_182 = arith.constant 1 : i32
        %mul3A_183 = arith.muli %scan3A_181, %mul3A_182 : i32
        %add3A_184 = arith.constant 0 : i32
        %add3A_185 = arith.addi %add3A_184, %mul3A_183 : i32
        %mul3A_186 = arith.constant 16 : i32
        %mul3A_187 = arith.muli %add3A_185, %mul3A_186 : i32
        %multiple_of3A_188 = tpu.assume_multiple %mul3A_187, 16 : i32
        %get3A_189 = arith.index_cast %add3A_87 : i32 to index
        %get3A_190 = arith.index_cast %multiple_of3A_188 : i32 to index
        %get3A_191 = tpu.vector_load %arg7[%get3A_189, %get3A_190] {strides = array<i32>} : memref<8x1024xf32, #tpu.memory_space<vmem>>, vector<1x16xf32>,
        %get3A_192 = vector.shape_cast %get3A_191 : vector<1x16xf32> to vector<16xf32>
        %swap3A_193 = arith.index_cast %add3A_87 : i32 to index
        %swap3A_194 = arith.index_cast %multiple_of3A_188 : i32 to index
        %swap3A_195 = tpu.vector_load %arg13[%swap3A_193, %swap3A_194] {strides = array<i32>} : memref<8x1024xf32, #tpu.memory_space<vmem>>, vector<1x16xf32>,
        %swap3A_196 = vector.shape_cast %swap3A_195 : vector<1x16xf32> to vector<16xf32>
        %swap3A_197 = vector.shape_cast %get3A_192 : vector<16xf32> to vector<1x16xf32>
        tpu.vector_store %arg13[%swap3A_193, %swap3A_194], %swap3A_197 {add = true, strides = array<i32>} : memref<8x1024xf32, #tpu.memory_space<vmem>>, vector<1x16xf32>,
        %scan3A_198 = arith.constant 6 : i32
        %scan3A_199 = arith.addi %scan3A_93, %scan3A_198 : i32
        %mul3A_200 = arith.constant 1 : i32
        %mul3A_201 = arith.muli %scan3A_199, %mul3A_200 : i32
        %add3A_202 = arith.constant 0 : i32
        %add3A_203 = arith.addi %add3A_202, %mul3A_201 : i32
        %mul3A_204 = arith.constant 16 : i32
        %mul3A_205 = arith.muli %add3A_203, %mul3A_204 : i32
        %multiple_of3A_206 = tpu.assume_multiple %mul3A_205, 16 : i32
        %get3A_207 = arith.index_cast %add3A_87 : i32 to index
        %get3A_208 = arith.index_cast %multiple_of3A_206 : i32 to index
        %get3A_209 = tpu.vector_load %arg7[%get3A_207, %get3A_208] {strides = array<i32>} : memref<8x1024xf32, #tpu.memory_space<vmem>>, vector<1x16xf32>,
        %get3A_210 = vector.shape_cast %get3A_209 : vector<1x16xf32> to vector<16xf32>
        %swap3A_211 = arith.index_cast %add3A_87 : i32 to index
        %swap3A_212 = arith.index_cast %multiple_of3A_206 : i32 to index
        %swap3A_213 = tpu.vector_load %arg13[%swap3A_211, %swap3A_212] {strides = array<i32>} : memref<8x1024xf32, #tpu.memory_space<vmem>>, vector<1x16xf32>,
        %swap3A_214 = vector.shape_cast %swap3A_213 : vector<1x16xf32> to vector<16xf32>
        %swap3A_215 = vector.shape_cast %get3A_210 : vector<16xf32> to vector<1x16xf32>
        tpu.vector_store %arg13[%swap3A_211, %swap3A_212], %swap3A_215 {add = true, strides = array<i32>} : memref<8x1024xf32, #tpu.memory_space<vmem>>, vector<1x16xf32>,
        %scan3A_216 = arith.constant 7 : i32
        %scan3A_217 = arith.addi %scan3A_93, %scan3A_216 : i32
        %mul3A_218 = arith.constant 1 : i32
        %mul3A_219 = arith.muli %scan3A_217, %mul3A_218 : i32
        %add3A_220 = arith.constant 0 : i32
        %add3A_221 = arith.addi %add3A_220, %mul3A_219 : i32
        %mul3A_222 = arith.constant 16 : i32
        %mul3A_223 = arith.muli %add3A_221, %mul3A_222 : i32
        %multiple_of3A_224 = tpu.assume_multiple %mul3A_223, 16 : i32
        %get3A_225 = arith.index_cast %add3A_87 : i32 to index
        %get3A_226 = arith.index_cast %multiple_of3A_224 : i32 to index
        %get3A_227 = tpu.vector_load %arg7[%get3A_225, %get3A_226] {strides = array<i32>} : memref<8x1024xf32, #tpu.memory_space<vmem>>, vector<1x16xf32>,
        %get3A_228 = vector.shape_cast %get3A_227 : vector<1x16xf32> to vector<16xf32>
        %swap3A_229 = arith.index_cast %add3A_87 : i32 to index
        %swap3A_230 = arith.index_cast %multiple_of3A_224 : i32 to index
        %swap3A_231 = tpu.vector_load %arg13[%swap3A_229, %swap3A_230] {strides = array<i32>} : memref<8x1024xf32, #tpu.memory_space<vmem>>, vector<1x16xf32>,
        %swap3A_232 = vector.shape_cast %swap3A_231 : vector<1x16xf32> to vector<16xf32>
        %swap3A_233 = vector.shape_cast %get3A_228 : vector<16xf32> to vector<1x16xf32>
        tpu.vector_store %arg13[%swap3A_229, %swap3A_230], %swap3A_233 {add = true, strides = array<i32>} : memref<8x1024xf32, #tpu.memory_space<vmem>>, vector<1x16xf32>,
      }
      %scan3A_92 = arith.constant 64 : i32
    }
    %scan3A_57 = arith.constant 8 : i32
    %dma_wait3A_58 = arith.constant 0 : i32
    %dma_wait3A_59 = tpu.memref_slice %arg6[%dma_wait3A_58] : memref<1024xi32, #tpu.memory_space<vmem>> -> memref<8xi32, #tpu.memory_space<vmem>>
    %dma_wait3A_60 = arith.constant 0 : i32
    %dma_wait3A_61 = arith.constant 0 : i32
    %dma_wait3A_62 = tpu.memref_slice %arg4[%dma_wait3A_60, %dma_wait3A_61] : memref<100000x1024xf32, #tpu.memory_space<hbm>> -> memref<100000x1024xf32, #tpu.memory_space<hbm>>
    tpu.wait_indirect_dma semaphore(%arg20 : memref<!tpu.dma_semaphore, #tpu.memory_space<semaphore_mem>>) src(%dma_wait3A_62 : memref<100000x1024xf32, #tpu.memory_space<hbm>>) dst(%arg14 : memref<8x1024xf32, #tpu.memory_space<vmem>>)
    %dma_wait3A_63 = arith.constant 0 : i32
    %dma_wait3A_64 = tpu.memref_slice %arg2[%multiple_of3A, %dma_wait3A_63] : memref<32768x1024xf32, #tpu.memory_space<hbm>> -> memref<8x1024xf32, #tpu.memory_space<hbm>>
    %dma_wait3A_65 = arith.constant 0 : i32
    %dma_wait3A_66 = tpu.memref_slice %arg2[%multiple_of3A, %dma_wait3A_65] : memref<32768x1024xf32, #tpu.memory_space<hbm>> -> memref<8x1024xf32, #tpu.memory_space<hbm>>
    tpu.wait_dma2 semaphore(%arg20 : memref<!tpu.dma_semaphore, #tpu.memory_space<semaphore_mem>>) src(%dma_wait3A_66 : memref<8x1024xf32, #tpu.memory_space<hbm>>) dst(%arg8 : memref<8x1024xf32, #tpu.memory_space<vmem>>)
    %scan3A_67 = arith.constant 0 : i32
    %scan3A_68 = arith.constant 8 : i32
    %scan3A_69 = arith.addi %scan3A_67, %scan3A_68 : i32
    %scan3A_70 = arith.constant 1 : i32
    scf.for %scan3A_83 = %scan3A_67 to %scan3A_69 step %scan3A_70  : i32 {
      %mul3A_84 = arith.constant 1 : i32
      %mul3A_85 = arith.muli %scan3A_83, %mul3A_84 : i32
      %add3A_86 = arith.constant 0 : i32
      %add3A_87 = arith.addi %add3A_86, %mul3A_85 : i32
      %scan3A_88 = arith.constant 0 : i32
      %scan3A_89 = arith.constant 64 : i32
      %scan3A_90 = arith.addi %scan3A_88, %scan3A_89 : i32
      %scan3A_91 = arith.constant 8 : i32
      scf.for %scan3A_93 = %scan3A_88 to %scan3A_90 step %scan3A_91  : i32 {
        %mul3A_94 = arith.constant 1 : i32
        %mul3A_95 = arith.muli %scan3A_93, %mul3A_94 : i32
        %add3A_96 = arith.constant 0 : i32
        %add3A_97 = arith.addi %add3A_96, %mul3A_95 : i32
        %mul3A_98 = arith.constant 16 : i32
        %mul3A_99 = arith.muli %add3A_97, %mul3A_98 : i32
        %multiple_of3A_100 = tpu.assume_multiple %mul3A_99, 16 : i32
        %get3A = arith.index_cast %add3A_87 : i32 to index
        %get3A_101 = arith.index_cast %multiple_of3A_100 : i32 to index
        %get3A_102 = tpu.vector_load %arg8[%get3A, %get3A_101] {strides = array<i32>} : memref<8x1024xf32, #tpu.memory_space<vmem>>, vector<1x16xf32>,
        %get3A_103 = vector.shape_cast %get3A_102 : vector<1x16xf32> to vector<16xf32>
        %swap3A = arith.index_cast %add3A_87 : i32 to index
        %swap3A_104 = arith.index_cast %multiple_of3A_100 : i32 to index
        %swap3A_105 = tpu.vector_load %arg14[%swap3A, %swap3A_104] {strides = array<i32>} : memref<8x1024xf32, #tpu.memory_space<vmem>>, vector<1x16xf32>,
        %swap3A_106 = vector.shape_cast %swap3A_105 : vector<1x16xf32> to vector<16xf32>
        %swap3A_107 = vector.shape_cast %get3A_103 : vector<16xf32> to vector<1x16xf32>
        tpu.vector_store %arg14[%swap3A, %swap3A_104], %swap3A_107 {add = true, strides = array<i32>} : memref<8x1024xf32, #tpu.memory_space<vmem>>, vector<1x16xf32>,
        %scan3A_108 = arith.constant 1 : i32
        %scan3A_109 = arith.addi %scan3A_93, %scan3A_108 : i32
        %mul3A_110 = arith.constant 1 : i32
        %mul3A_111 = arith.muli %scan3A_109, %mul3A_110 : i32
        %add3A_112 = arith.constant 0 : i32
        %add3A_113 = arith.addi %add3A_112, %mul3A_111 : i32
        %mul3A_114 = arith.constant 16 : i32
        %mul3A_115 = arith.muli %add3A_113, %mul3A_114 : i32
        %multiple_of3A_116 = tpu.assume_multiple %mul3A_115, 16 : i32
        %get3A_117 = arith.index_cast %add3A_87 : i32 to index
        %get3A_118 = arith.index_cast %multiple_of3A_116 : i32 to index
        %get3A_119 = tpu.vector_load %arg8[%get3A_117, %get3A_118] {strides = array<i32>} : memref<8x1024xf32, #tpu.memory_space<vmem>>, vector<1x16xf32>,
        %get3A_120 = vector.shape_cast %get3A_119 : vector<1x16xf32> to vector<16xf32>
        %swap3A_121 = arith.index_cast %add3A_87 : i32 to index
        %swap3A_122 = arith.index_cast %multiple_of3A_116 : i32 to index
        %swap3A_123 = tpu.vector_load %arg14[%swap3A_121, %swap3A_122] {strides = array<i32>} : memref<8x1024xf32, #tpu.memory_space<vmem>>, vector<1x16xf32>,
        %swap3A_124 = vector.shape_cast %swap3A_123 : vector<1x16xf32> to vector<16xf32>
        %swap3A_125 = vector.shape_cast %get3A_120 : vector<16xf32> to vector<1x16xf32>
        tpu.vector_store %arg14[%swap3A_121, %swap3A_122], %swap3A_125 {add = true, strides = array<i32>} : memref<8x1024xf32, #tpu.memory_space<vmem>>, vector<1x16xf32>,
        %scan3A_126 = arith.constant 2 : i32
        %scan3A_127 = arith.addi %scan3A_93, %scan3A_126 : i32
        %mul3A_128 = arith.constant 1 : i32
        %mul3A_129 = arith.muli %scan3A_127, %mul3A_128 : i32
        %add3A_130 = arith.constant 0 : i32
        %add3A_131 = arith.addi %add3A_130, %mul3A_129 : i32
        %mul3A_132 = arith.constant 16 : i32
        %mul3A_133 = arith.muli %add3A_131, %mul3A_132 : i32
        %multiple_of3A_134 = tpu.assume_multiple %mul3A_133, 16 : i32
        %get3A_135 = arith.index_cast %add3A_87 : i32 to index
        %get3A_136 = arith.index_cast %multiple_of3A_134 : i32 to index
        %get3A_137 = tpu.vector_load %arg8[%get3A_135, %get3A_136] {strides = array<i32>} : memref<8x1024xf32, #tpu.memory_space<vmem>>, vector<1x16xf32>,
        %get3A_138 = vector.shape_cast %get3A_137 : vector<1x16xf32> to vector<16xf32>
        %swap3A_139 = arith.index_cast %add3A_87 : i32 to index
        %swap3A_140 = arith.index_cast %multiple_of3A_134 : i32 to index
        %swap3A_141 = tpu.vector_load %arg14[%swap3A_139, %swap3A_140] {strides = array<i32>} : memref<8x1024xf32, #tpu.memory_space<vmem>>, vector<1x16xf32>,
        %swap3A_142 = vector.shape_cast %swap3A_141 : vector<1x16xf32> to vector<16xf32>
        %swap3A_143 = vector.shape_cast %get3A_138 : vector<16xf32> to vector<1x16xf32>
        tpu.vector_store %arg14[%swap3A_139, %swap3A_140], %swap3A_143 {add = true, strides = array<i32>} : memref<8x1024xf32, #tpu.memory_space<vmem>>, vector<1x16xf32>,
        %scan3A_144 = arith.constant 3 : i32
        %scan3A_145 = arith.addi %scan3A_93, %scan3A_144 : i32
        %mul3A_146 = arith.constant 1 : i32
        %mul3A_147 = arith.muli %scan3A_145, %mul3A_146 : i32
        %add3A_148 = arith.constant 0 : i32
        %add3A_149 = arith.addi %add3A_148, %mul3A_147 : i32
        %mul3A_150 = arith.constant 16 : i32
        %mul3A_151 = arith.muli %add3A_149, %mul3A_150 : i32
        %multiple_of3A_152 = tpu.assume_multiple %mul3A_151, 16 : i32
        %get3A_153 = arith.index_cast %add3A_87 : i32 to index
        %get3A_154 = arith.index_cast %multiple_of3A_152 : i32 to index
        %get3A_155 = tpu.vector_load %arg8[%get3A_153, %get3A_154] {strides = array<i32>} : memref<8x1024xf32, #tpu.memory_space<vmem>>, vector<1x16xf32>,
        %get3A_156 = vector.shape_cast %get3A_155 : vector<1x16xf32> to vector<16xf32>
        %swap3A_157 = arith.index_cast %add3A_87 : i32 to index
        %swap3A_158 = arith.index_cast %multiple_of3A_152 : i32 to index
        %swap3A_159 = tpu.vector_load %arg14[%swap3A_157, %swap3A_158] {strides = array<i32>} : memref<8x1024xf32, #tpu.memory_space<vmem>>, vector<1x16xf32>,
        %swap3A_160 = vector.shape_cast %swap3A_159 : vector<1x16xf32> to vector<16xf32>
        %swap3A_161 = vector.shape_cast %get3A_156 : vector<16xf32> to vector<1x16xf32>
        tpu.vector_store %arg14[%swap3A_157, %swap3A_158], %swap3A_161 {add = true, strides = array<i32>} : memref<8x1024xf32, #tpu.memory_space<vmem>>, vector<1x16xf32>,
        %scan3A_162 = arith.constant 4 : i32
        %scan3A_163 = arith.addi %scan3A_93, %scan3A_162 : i32
        %mul3A_164 = arith.constant 1 : i32
        %mul3A_165 = arith.muli %scan3A_163, %mul3A_164 : i32
        %add3A_166 = arith.constant 0 : i32
        %add3A_167 = arith.addi %add3A_166, %mul3A_165 : i32
        %mul3A_168 = arith.constant 16 : i32
        %mul3A_169 = arith.muli %add3A_167, %mul3A_168 : i32
        %multiple_of3A_170 = tpu.assume_multiple %mul3A_169, 16 : i32
        %get3A_171 = arith.index_cast %add3A_87 : i32 to index
        %get3A_172 = arith.index_cast %multiple_of3A_170 : i32 to index
        %get3A_173 = tpu.vector_load %arg8[%get3A_171, %get3A_172] {strides = array<i32>} : memref<8x1024xf32, #tpu.memory_space<vmem>>, vector<1x16xf32>,
        %get3A_174 = vector.shape_cast %get3A_173 : vector<1x16xf32> to vector<16xf32>
        %swap3A_175 = arith.index_cast %add3A_87 : i32 to index
        %swap3A_176 = arith.index_cast %multiple_of3A_170 : i32 to index
        %swap3A_177 = tpu.vector_load %arg14[%swap3A_175, %swap3A_176] {strides = array<i32>} : memref<8x1024xf32, #tpu.memory_space<vmem>>, vector<1x16xf32>,
        %swap3A_178 = vector.shape_cast %swap3A_177 : vector<1x16xf32> to vector<16xf32>
        %swap3A_179 = vector.shape_cast %get3A_174 : vector<16xf32> to vector<1x16xf32>
        tpu.vector_store %arg14[%swap3A_175, %swap3A_176], %swap3A_179 {add = true, strides = array<i32>} : memref<8x1024xf32, #tpu.memory_space<vmem>>, vector<1x16xf32>,
        %scan3A_180 = arith.constant 5 : i32
        %scan3A_181 = arith.addi %scan3A_93, %scan3A_180 : i32
        %mul3A_182 = arith.constant 1 : i32
        %mul3A_183 = arith.muli %scan3A_181, %mul3A_182 : i32
        %add3A_184 = arith.constant 0 : i32
        %add3A_185 = arith.addi %add3A_184, %mul3A_183 : i32
        %mul3A_186 = arith.constant 16 : i32
        %mul3A_187 = arith.muli %add3A_185, %mul3A_186 : i32
        %multiple_of3A_188 = tpu.assume_multiple %mul3A_187, 16 : i32
        %get3A_189 = arith.index_cast %add3A_87 : i32 to index
        %get3A_190 = arith.index_cast %multiple_of3A_188 : i32 to index
        %get3A_191 = tpu.vector_load %arg8[%get3A_189, %get3A_190] {strides = array<i32>} : memref<8x1024xf32, #tpu.memory_space<vmem>>, vector<1x16xf32>,
        %get3A_192 = vector.shape_cast %get3A_191 : vector<1x16xf32> to vector<16xf32>
        %swap3A_193 = arith.index_cast %add3A_87 : i32 to index
        %swap3A_194 = arith.index_cast %multiple_of3A_188 : i32 to index
        %swap3A_195 = tpu.vector_load %arg14[%swap3A_193, %swap3A_194] {strides = array<i32>} : memref<8x1024xf32, #tpu.memory_space<vmem>>, vector<1x16xf32>,
        %swap3A_196 = vector.shape_cast %swap3A_195 : vector<1x16xf32> to vector<16xf32>
        %swap3A_197 = vector.shape_cast %get3A_192 : vector<16xf32> to vector<1x16xf32>
        tpu.vector_store %arg14[%swap3A_193, %swap3A_194], %swap3A_197 {add = true, strides = array<i32>} : memref<8x1024xf32, #tpu.memory_space<vmem>>, vector<1x16xf32>,
        %scan3A_198 = arith.constant 6 : i32
        %scan3A_199 = arith.addi %scan3A_93, %scan3A_198 : i32
        %mul3A_200 = arith.constant 1 : i32
        %mul3A_201 = arith.muli %scan3A_199, %mul3A_200 : i32
        %add3A_202 = arith.constant 0 : i32
        %add3A_203 = arith.addi %add3A_202, %mul3A_201 : i32
        %mul3A_204 = arith.constant 16 : i32
        %mul3A_205 = arith.muli %add3A_203, %mul3A_204 : i32
        %multiple_of3A_206 = tpu.assume_multiple %mul3A_205, 16 : i32
        %get3A_207 = arith.index_cast %add3A_87 : i32 to index
        %get3A_208 = arith.index_cast %multiple_of3A_206 : i32 to index
        %get3A_209 = tpu.vector_load %arg8[%get3A_207, %get3A_208] {strides = array<i32>} : memref<8x1024xf32, #tpu.memory_space<vmem>>, vector<1x16xf32>,
        %get3A_210 = vector.shape_cast %get3A_209 : vector<1x16xf32> to vector<16xf32>
        %swap3A_211 = arith.index_cast %add3A_87 : i32 to index
        %swap3A_212 = arith.index_cast %multiple_of3A_206 : i32 to index
        %swap3A_213 = tpu.vector_load %arg14[%swap3A_211, %swap3A_212] {strides = array<i32>} : memref<8x1024xf32, #tpu.memory_space<vmem>>, vector<1x16xf32>,
        %swap3A_214 = vector.shape_cast %swap3A_213 : vector<1x16xf32> to vector<16xf32>
        %swap3A_215 = vector.shape_cast %get3A_210 : vector<16xf32> to vector<1x16xf32>
        tpu.vector_store %arg14[%swap3A_211, %swap3A_212], %swap3A_215 {add = true, strides = array<i32>} : memref<8x1024xf32, #tpu.memory_space<vmem>>, vector<1x16xf32>,
        %scan3A_216 = arith.constant 7 : i32
        %scan3A_217 = arith.addi %scan3A_93, %scan3A_216 : i32
        %mul3A_218 = arith.constant 1 : i32
        %mul3A_219 = arith.muli %scan3A_217, %mul3A_218 : i32
        %add3A_220 = arith.constant 0 : i32
        %add3A_221 = arith.addi %add3A_220, %mul3A_219 : i32
        %mul3A_222 = arith.constant 16 : i32
        %mul3A_223 = arith.muli %add3A_221, %mul3A_222 : i32
        %multiple_of3A_224 = tpu.assume_multiple %mul3A_223, 16 : i32
        %get3A_225 = arith.index_cast %add3A_87 : i32 to index
        %get3A_226 = arith.index_cast %multiple_of3A_224 : i32 to index
        %get3A_227 = tpu.vector_load %arg8[%get3A_225, %get3A_226] {strides = array<i32>} : memref<8x1024xf32, #tpu.memory_space<vmem>>, vector<1x16xf32>,
        %get3A_228 = vector.shape_cast %get3A_227 : vector<1x16xf32> to vector<16xf32>
        %swap3A_229 = arith.index_cast %add3A_87 : i32 to index
        %swap3A_230 = arith.index_cast %multiple_of3A_224 : i32 to index
        %swap3A_231 = tpu.vector_load %arg14[%swap3A_229, %swap3A_230] {strides = array<i32>} : memref<8x1024xf32, #tpu.memory_space<vmem>>, vector<1x16xf32>,
        %swap3A_232 = vector.shape_cast %swap3A_231 : vector<1x16xf32> to vector<16xf32>
        %swap3A_233 = vector.shape_cast %get3A_228 : vector<16xf32> to vector<1x16xf32>
        tpu.vector_store %arg14[%swap3A_229, %swap3A_230], %swap3A_233 {add = true, strides = array<i32>} : memref<8x1024xf32, #tpu.memory_space<vmem>>, vector<1x16xf32>,
      }
      %scan3A_92 = arith.constant 64 : i32
    }
    %scan3A_71 = arith.constant 8 : i32
    %add3A_72 = arith.constant 0 : i32
    %add3A_73 = arith.addi %multiple_of3A, %add3A_72 : i32
    %multiple_of3A_74 = tpu.assume_multiple %add3A_73, 8 : i32
    %dma_start3A_75 = arith.constant 0 : i32
    %dma_start3A_76 = tpu.memref_slice %arg5[%multiple_of3A_74, %dma_start3A_75] : memref<32768x1024xf32, #tpu.memory_space<hbm>> -> memref<8x1024xf32, #tpu.memory_space<hbm>>
    %dma_start3A_77 = arith.constant 0 : i32
    %dma_start3A_78 = tpu.memref_slice %arg5[%multiple_of3A_74, %dma_start3A_77] : memref<32768x1024xf32, #tpu.memory_space<hbm>> -> memref<8x1024xf32, #tpu.memory_space<hbm>>
    tpu.enqueue_dma source(%arg13 : memref<8x1024xf32, #tpu.memory_space<vmem>>) target(%dma_start3A_78 : memref<8x1024xf32, #tpu.memory_space<hbm>>) target_semaphore(%arg25 : memref<!tpu.dma_semaphore, #tpu.memory_space<semaphore_mem>>)
    %dma_wait3A_79 = arith.constant 0 : i32
    %dma_wait3A_80 = tpu.memref_slice %arg5[%multiple_of3A, %dma_wait3A_79] : memref<32768x1024xf32, #tpu.memory_space<hbm>> -> memref<8x1024xf32, #tpu.memory_space<hbm>>
    %dma_wait3A_81 = arith.constant 0 : i32
    %dma_wait3A_82 = tpu.memref_slice %arg5[%multiple_of3A, %dma_wait3A_81] : memref<32768x1024xf32, #tpu.memory_space<hbm>> -> memref<8x1024xf32, #tpu.memory_space<hbm>>
    tpu.wait_dma2 semaphore(%arg25 : memref<!tpu.dma_semaphore, #tpu.memory_space<semaphore_mem>>) src(%arg13 : memref<8x1024xf32, #tpu.memory_space<vmem>>) dst(%dma_wait3A_82 : memref<8x1024xf32, #tpu.memory_space<hbm>>)
    return
  }
}

</mosaic_0001>

<sc_bundles>
// kernel: kernel.3.cloned.1.call-start
scs
__scs_entry_jumppad:
0x0: {  	(pc) =	sbr.rel $0x88, $3  }
0x1: {  	(tag) =	ssettag $0x0;
	lr =	simm.s32 $0x1  }
0x2: {  	[smem:$0x3F9E] =	sst lr;
	_ =	strace $0xD0000000  }
0x3: {  	_ = 	snop  }
0x4: {  	_ = 	snop  }
0x5: {  	_ = 	snop  }
0x6: {  	_ = 	snop  }
0x7: {  	_ = 	snop  }
__scs_overlays_trampoline_lowered:
0x8: {  	[smem:$0x3FAD] =	sst s0  }
0x9: {  	[smem:$0x3FAE] =	sst s1  }
0xa: {  	[smem:$0x3FAF] =	sst s2  }
0xb: {  	[smem:$0x3FB0] =	sst s3  }
0xc: {  	[smem:$0x3FB1] =	sst s4  }
0xd: {  	[smem:$0x3FB2] =	sst s5  }
0xe: {  	[smem:$0x3FB3] =	sst s6  }
0xf: {  	[smem:$0x3FB4] =	sst s7  }
0x10: {  	[smem:$0x3FB5] =	sst s8  }
0x11: {  	[smem:$0x3FB6] =	sst s9;
	s0 =	simm.s32 @!p0 $0x0  }
0x12: {  	s1 =	sld [smem:$0x3F9C];
	s0 =	simm.s32 @p0 $0x1  }
0x13: {  	[smem:$0x3FB7] =	sst s0;
	s0 =	simm.s32 @!p1 $0x0  }
0x14: {  	s2 =	sld [smem:$0x3F9B];
	s0 =	simm.s32 @p1 $0x1  }
0x15: {  	[smem:$0x3FB8] =	sst s0;
	s0 =	simm.s32 @!p2 $0x0  }
0x16: {  	s3 =	sld [smem:$0x3FDB];
	s0 =	simm.s32 @p2 $0x1  }
0x17: {  	s4 =	simm.s32 $0x1BF5;
	[smem:$0x3FBA] =	sst s0  }
0x18: {  	s0 =	sld [smem:$0x3F9D];
	_ =	swait.ge [sflag:s4], $0x0  }
0x19: {  	s7 =	sld [smem:$0x3F9E]  }
0x1a: {  	s8 =	sadd.s32 $0xFFFFE003, lr  }
0x1b: {  	s9 =	sadd.s32 $0xFFFFFEF7, lr;
	s5 =	simm.s32 $0xFFFFFFFF;
	p2 =	slt.u32 s8, $0xFFFFF086  }
0x1c: {  	p1 =	slt.u32 s9, $0xF7A;
	s5 =	simm.s32 @!p2 $0x0  }
0x1d: {  	s5 =	simm.s32 @p1 $0x1;
	p0 =	seq.s32 s7, s2  }
0x1e: {  	s7 =	smul.u32 @!p0 $0xF7A, s2;
	p2 =	seq.s32 @!p0 s5, $0x0  }
0x1f: {  	s9 =	smul.u32 $0xF7A, s1;
	s8 =	simm.s32 @!p0 $0x1BF5;
	p2 =	por !p2, p0  }
0x20: {  	[sflag:s8] =	ssyncset.s32 @!p0 $0xFFFFF086;
	s6 =	sadd.s32 @!p0 s3, s7;
	s7 =	simm.s32 @!p0 $0x108  }
0x21: {  	s3 =	sadd.s32 s3, s9;
	s6 =	sadd.s32 @!p0 $0x88, s6;
	s7 =	simm.s32 @p2 $0x1082  }
0x22: {  	[simem:s7], [sflag:s8] =	dma.local @!p0 [hbm:s6], $0xF7A  }
0x23: {  	s9 =	sor.u32 $0xD0000000, s2;
	s6 =	simm.s32 $0x108;
	_ =	swait.ge @!p0 [sflag:s8], $0x0  }
0x24: {  	s3 =	sadd.s32 $0x88, s3;
	s6 =	simm.s32 @!p1 $0x1082;
	[sflag:s4] =	ssyncset.s32 $0xFFFFF086  }
0x25: {  	[simem:s6], [sflag:s4] =	dma.local [hbm:s3], $0xF7A  }
0x26: {  	[smem:$0x3F9E] =	sst s1;
	(tag) =	ssettag s2;
	_ =	strace s9  }
0x27: {  	s1 =	sld [smem:$0x3FAE]  }
0x28: {  	s2 =	sld [smem:$0x3FAF]  }
0x29: {  	s4 =	sld [smem:$0x3FB1]  }
0x2a: {  	p0 =	seq.s32 s5, $0x0;
	s5 =	sld [smem:$0x3FB2]  }
0x2b: {  	s6 =	sld [smem:$0x3FB3]  }
0x2c: {  	s7 =	sld [smem:$0x3FB4]  }
0x2d: {  	s3 =	simm.s32 $0x108;
	s8 =	sld [smem:$0x3FB5]  }
0x2e: {  	s3 =	simm.s32 @!p0 $0x1082;
	s9 =	sld [smem:$0x3FB6]  }
0x2f: {  	lr =	sadd.s32 s0, s3;
	s0 =	sld [smem:$0x3FAD]  }
0x30: {  	s3 =	sld [smem:$0x3FB0]  }
0x31: {  	[smem:$0x3FB9] =	sst s10  }
0x32: {  	s10 =	sld [smem:$0x3FB7];
	_ =	sdelay $0x3  }
0x33: {  	p0 =	seq.s32 s10, $0x1;
	s10 =	sld [smem:$0x3FB9];
	_ =	sdelay $0x3  }
0x34: {  	[smem:$0x3FB9] =	sst s10  }
0x35: {  	s10 =	sld [smem:$0x3FB8];
	_ =	sdelay $0x3  }
0x36: {  	p1 =	seq.s32 s10, $0x1;
	s10 =	sld [smem:$0x3FB9];
	_ =	sdelay $0x3  }
0x37: {  	[smem:$0x3FB9] =	sst s10  }
0x38: {  	s10 =	sld [smem:$0x3FBA]  }
0x39: {  	_ = 	snop;
	(pc) =	sbr.ind lr, $3  }
0x3a: {  	_ = 	snop  }
0x3b: {  	_ = 	snop  }
0x3c: {  	p2 =	seq.s32 s10, $0x1;
	s10 =	sld [smem:$0x3FB9]  }
0x3d: {  	_ =	shalt  }
0x3e: {  	_ =	shalt  }
0x3f: {  	_ =	shalt  }
0x40: {  	_ =	shalt  }
0x41: {  	_ =	shalt  }
0x42: {  	_ =	shalt  }
0x43: {  	_ =	shalt  }
0x44: {  	_ =	shalt  }
0x45: {  	_ =	shalt  }
0x46: {  	_ =	shalt  }
0x47: {  	_ =	shalt  }
0x48: {  	_ =	shalt  }
0x49: {  	_ =	shalt  }
0x4a: {  	_ =	shalt  }
0x4b: {  	_ =	shalt  }
0x4c: {  	_ =	shalt  }
0x4d: {  	_ =	shalt  }
0x4e: {  	_ =	shalt  }
0x4f: {  	_ =	shalt  }
0x50: {  	_ =	shalt  }
0x51: {  	_ =	shalt  }
0x52: {  	_ =	shalt  }
0x53: {  	_ =	shalt  }
0x54: {  	_ =	shalt  }
0x55: {  	_ =	shalt  }
0x56: {  	_ =	shalt  }
0x57: {  	_ =	shalt  }
0x58: {  	_ =	shalt  }
0x59: {  	_ =	shalt  }
0x5a: {  	_ =	shalt  }
0x5b: {  	_ =	shalt  }
0x5c: {  	_ =	shalt  }
0x5d: {  	_ =	shalt  }
0x5e: {  	_ =	shalt  }
0x5f: {  	_ =	shalt  }
0x60: {  	_ =	shalt  }
0x61: {  	_ =	shalt  }
0x62: {  	_ =	shalt  }
0x63: {  	_ =	shalt  }
0x64: {  	_ =	shalt  }
0x65: {  	_ =	shalt  }
0x66: {  	_ =	shalt  }
0x67: {  	_ =	shalt  }
0x68: {  	_ =	shalt  }
0x69: {  	_ =	shalt  }
0x6a: {  	_ =	shalt  }
0x6b: {  	_ =	shalt  }
0x6c: {  	_ =	shalt  }
0x6d: {  	_ =	shalt  }
0x6e: {  	_ =	shalt  }
0x6f: {  	_ =	shalt  }
0x70: {  	_ =	shalt  }
0x71: {  	_ =	shalt  }
0x72: {  	_ =	shalt  }
0x73: {  	_ =	shalt  }
0x74: {  	_ =	shalt  }
0x75: {  	_ =	shalt  }
0x76: {  	_ =	shalt  }
0x77: {  	_ =	shalt  }
0x78: {  	_ =	shalt  }
0x79: {  	_ =	shalt  }
0x7a: {  	_ =	shalt  }
0x7b: {  	_ =	shalt  }
0x7c: {  	_ =	shalt  }
0x7d: {  	_ =	shalt  }
0x7e: {  	_ =	shalt  }
0x7f: {  	_ =	shalt  }
0x80: {  	_ =	shalt  }
0x81: {  	_ =	shalt  }
0x82: {  	_ =	shalt  }
0x83: {  	_ =	shalt  }
0x84: {  	_ =	shalt  }
0x85: {  	_ =	shalt  }
0x86: {  	_ =	shalt  }
0x87: {  	_ =	shalt  }
.Lfunc_end0:
.L_simem_size_0:
called_computation_lowered:
.L_overlay_start_0:
0x88: {  	s2 =	sld [smem:$0x3FD9]  }
0x89: {  	s3 =	sld [smem:$0x3FFE];
	_ =	sdelay $0x1  }
0x8a: {  	s1 =	srdreg.scid  }
0x8b: {  	s0 =	sand.u32 $0x1, s1  }
0x8c: {  	s17 =	sshll.u32 s0, $0xA;
	s2 =	sadd.s32 s3, s2  }
0x8d: {  	s2 =	sadd.s32 s2, s17  }
0x8e: {  	[smem:$0x3FC5] =	sst s2  }
0x8f: {  	_ = 	snop  }
0x90: {  	s2 =	sld [smem:$0x3FC9]  }
0x91: {  	s18 =	sld [smem:$0x3FC7]  }
0x92: {  	s4 =	sld [smem:$0x3FD0];
	(tm) =	ssettm $0x1  }
0x93: {  	s5 =	sld [smem:$0x3FFB];
	_ =	sdelay $0x3  }
0x94: {  	_ =	strace s5  }
0x95: {  	s5 =	sld [smem:$0x3FFC];
	_ =	sdelay $0x3  }
0x96: {  	_ =	strace s5  }
0x97: {  	s5 =	sld [smem:$0x3FFD];
	_ =	sdelay $0x3  }
0x98: {  	_ =	strace s5  }
0x99: {  	_ =	strace $0x8FFFFFFF  }
0x9a: {  	s19 =	sld [smem:$0x3FDB];
	_ =	sdelay $0x1  }
0x9b: {  	s6 =	simm.s32 $_scs_section_size  }
0x9c: {  	s7 =	simm.s32 $_size__tile_overlayer_lowered;
	s8 =	simm.s32 $_tile_overlayer_lowered  }
0x9d: {  	s22 =	simm.s32 $0x1BFF;
	s21 =	sshll.u32 s8, $0x1;
	s5 =	sadd.s32 s6, s19  }
0x9e: {  	s9 =	simm.s32 $0x0;
	s20 =	sshll.u32 s7, $0x1;
	s7 =	sadd.s32 s21, s5  }
0x9f: {  	[timem:s9], [sflag:s22] =	dma.local [hbm:s7], s20  }
0xa0: {  	_ =	swait.ge [sflag:s22], s20  }
0xa1: {  	s6 =	ssub.s32 $0x0, s20;
	[sflag:s22] =	ssyncset.done $0x0  }
0xa2: {  	[sflag:s22] =	ssyncadd.s32 s6;
	_ =	sdelay $0x1  }
0xa3: {  	s23 =	simm.s32 $0x1B8B  }
0xa4: {  	_ =	swait.ge [sflag:s23], $0x1  }
0xa5: {  	[sflag:s23] =	ssyncset.done $0x0  }
0xa6: {  	s25 =	simm.s32 $0x1B8E;
	s24 =	sld [smem:$0x3FFE];
	[sflag:s23] =	ssyncadd.s32 $0xFFFFFFFF  }
0xa7: {  	s26 =	simm.s32 $execute0_lowered;
	[smem:$0x3FD2] =	sst s25  }
0xa8: {  	s7 =	sshll.u32 s26, $0x1;
	_ =	strace $0x80000046;
	[dreg:$0x1] =	wrdreg $0xFFFFFFFF  }
0xa9: {  	s28 =	simm.s32 $_size_execute0_lowered;
	s5 =	sadd.s32 s5, s7;
	[dreg:$0x0] =	wrdreg $0x0  }
0xaa: {  	s7 =	sshll.u32 s28, $0x1;
	[dreg:$0x2] =	wrdreg s5  }
0xab: {  	[dreg:$0x3] =	wrdreg s7  }
0xac: {  	[dreg:$0x4] =	wrdreg $0xC0  }
0xad: {  	_ =	task [dreg:s9], $0x5FFFF  }
0xae: {  	[dreg:$0x1] =	wrdreg $0xFFFFFFFF  }
0xaf: {  	[dreg:$0x0] =	wrdreg $0x60  }
0xb0: {  	[dreg:$0x2] =	wrdreg s2  }
0xb1: {  	[dreg:$0x3] =	wrdreg s24  }
0xb2: {  	[dreg:$0x4] =	wrdreg s18  }
0xb3: {  	[dreg:$0x5] =	wrdreg s4  }
0xb4: {  	[dreg:$0x6] =	wrdreg $0x9  }
0xb5: {  	_ =	task.clear_ibuf [dreg:s9], $0x7FFFF;
	_ =	strace $0x90000046  }
0xb6: {  	s29 =	simm.s32 $0x9;
	_ =	strace $0x80000048  }
0xb7: {  	_ =	swait.ge [sflag:s29], $0x1  }
0xb8: {  	[sflag:s29] =	ssyncadd.s32 $0xFFFFFFFF  }
0xb9: {  	_ =	strace $0x90000048  }
0xba: {  	_ =	sfence  }
0xbb: {  	s30 =	sld [smem:$0x0];
	_ =	sdelay $0x2  }
0xbc: {  	s31 =	sshll.u32 s1, $0xD;
	s1 =	sshrl.u32 s1, $0x2  }
0xbd: {  	s3 =	sand.u32 $0x4000, s31;
	s1 =	sadd.s32 s1, s30  }
0xbe: {  	s0 =	sor.u32 s3, s0;
	s1 =	sshll.u32 s1, $0x11  }
0xbf: {  	s0 =	sor.u32 s1, s0  }
0xc0: {  	s0 =	sadd.s32 $0x8F2B, s0  }
0xc1: {  	[sflag:s0] =	ssyncadd.remote.s32 $0x1  }
0xc2: {  	_ =	sfence.sel $0xFFFF  }
0xc3: {  	[dreg:$0x0] =	wrdreg $0xFFFFFFFF;
	(pc) =	sbr.abs _section_cstart, $3  }
0xc4: {  	[dreg:$0x1] =	wrdreg $0xFFFFFFFF  }
0xc5: {  	_ =	task.clear_ibuf [dreg:s9], $0x2FFFF;
	_ =	strace $0x9FFFFFFF  }
0xc6: {  	(tm) =	ssettm $0x7FFFFFFF  }
0xc7: {  	_ =	shalt  }
tec
execute0_lowered:
.L_overlay_start_1:
0x0: {  	(tag) =	ssettag $0x1  }
0x1: {  	s1 =	rddreg [dreg:$0x0]  }
0x2: {  	s0 =	rddreg [dreg:$0x1]  }
0x3: {  	s3 =	rddreg [dreg:$0x2]  }
0x4: {  	s2 =	rddreg [dreg:$0x3];
	s4 =	srdreg.scid  }
0x5: {  	s5 =	stileid.u32;
	s8 =	simm.s32 $0x0;
	s16 =	simm.s32 $0xC400  }
0x6: {  	s19 =	simm.s32 $0xDC00;
	s20 =	simm.s32 $0x400;
	s21 =	simm.s32 $0xE400  }
0x7: {  	s22 =	simm.s32 $0xEC00;
	s30 =	simm.s32 $0x1;
	s14 =	simm.s32 $0x2  }
0x8: {  	s15 =	simm.s32 $0x16C00;
	s28 =	simm.s32 $0x4;
	s29 =	simm.s32 $0x5  }
0x9: {  	s31 =	simm.s32 $0x6;
	s12 =	simm.s32 $0x0;
	s4 =	sand.u32 $0x1, s4  }
0xa: {  	s5 =	sshll.u32 s5, $0xB;
	[smem:$0x7FF] =	sst s8;
	s9 =	sadd.s32 $0x200, s3  }
0xb: {  	s10 =	sadd.s32 $0x300, s3;
	s6 =	sshll.u32 s4, $0xA;
	s4 =	ssub.s32 $0x2, s4  }
0xc: {  	_ =	strace $0x80000047;
	s5 =	sor.u32 s6, s5;
	s7 =	sshrl.u32 s4, $0x1  }
0xd: {  	s6 =	sshrl.u32 s5, $0x3;
	s4 =	ssub.s32 s4, s7;
	s23 =	sshll.u32 s5, $0x7  }
0xe: {  	s7 =	sadd.s32 $0x100, s3;
	s0 =	sadd.s32 s6, s0;
	s24 =	sadd.s32 s1, s23  }
0xf: {  	s25 =	sadd.s32 s2, s23;
	s26 =	smax.u32 s4, $0x1;
	[dreg:$0x6] =	wrdreg s24  }
0x10: {  	s23 =	simm.s32 $0xF400;
	s4 =	simm.s32 $0x17400;
	[dreg:$0x9] =	wrdreg s25  }
0x11: {  	s2 =	simm.s32 $0xA400;
	s0 =	sadd.s32 $0x400, s0;
	[dreg:$0xa] =	wrdreg s26  }
0x12: {  	v0 =	vlaneseq.u32;
	s11 =	sadd.s32 $0x400, s24;
	s25 =	simm.s32 $0x2400;
	[dreg:$0x5] =	wrdreg s0  }
0x13: {  	v1 =	vshrl.u32 v0, $0x3;
	s26 =	simm.s32 $0x3;
	[dreg:$0x7] =	wrdreg s11;
	s0 =	sadd.s32 $0x800, s24  }
0x14: {  	vm0 =	vmmov $0xffff;
	v0 =	vand.u32 $0x7, v0;
	v1 =	vmul.u32 $0x8, v1;
	s24 =	simm.s32 $0xFC00;
	[dreg:$0x8] =	wrdreg s0;
	s0 =	simm.s32 $0x17C00  }
.LBB2_1:
0x15: {  	[dreg:$0xb] =	wrdreg s12  }
0x16: {  	s6 =	rddreg [dreg:$0x5];
	s11 =	simm.s32 $0x8  }
0x17: {  	[tilespmem:s8], [sflag:$0x8] =	stream.linear.gather [hbm4b:s6+s8], $0x400, $0x38;
	[tilespmem:$0x18400] =	vst v63  }
0x18: {  	_ =	swait.ge [sflag:s11], $0x400  }
0x19: {  	[sflag:s11] =	ssyncset.done $0x0  }
0x1a: {  	[sflag:s11] =	ssyncadd.s32 $0xFFFFFC00  }
0x1b: {  	v2 =	vld.msk [tilespmem:$0x0], $0xff;
	_ =	sdelay $0x4  }
0x1c: {  	v3 =	vshll.u32 v2, $0x3  }
0x1d: {  	v2 =	vand.u32 $0x7, v2;
	v3 =	vand.u32 $0xFFFFFFC0, v3  }
0x1e: {  	v2 =	vor.u32 v2, v3  }
0x1f: {  	v2 =	vperm.xlane v2, v0;
	_ =	sdelay $0x1  }
0x20: {  	v2 =	vadd.s32 v1, v2;
	_ =	sdelay $0x4  }
0x21: {  	[tilespmem:s16], [sflag:$0x1] =	stream.indirect_vreg.gather [hbm4b:s3+s8], $0x80, v2, vm0, $0xb8;
	[tilespmem:$0x18400] =	vst v63  }
0x22: {  	s12 =	simm.s32 $0xCC00  }
0x23: {  	[tilespmem:s12], [sflag:$0x1] =	stream.indirect_vreg.gather [hbm4b:s7+s8], $0x80, v2, vm0, $0xb8;
	[tilespmem:$0x18400] =	vst v63  }
0x24: {  	s13 =	simm.s32 $0xD400  }
0x25: {  	[tilespmem:s13], [sflag:$0x1] =	stream.indirect_vreg.gather [hbm4b:s9+s8], $0x80, v2, vm0, $0xb8;
	[tilespmem:$0x18400] =	vst v63  }
0x26: {  	_ = 	snop  }
0x27: {  	[tilespmem:s19], [sflag:$0x1] =	stream.indirect_vreg.gather [hbm4b:s10+s8], $0x80, v2, vm0, $0xb8;
	[tilespmem:$0x18400] =	vst v63  }
0x28: {  	s17 =	rddreg [dreg:$0x6]  }
0x29: {  	[tilespmem:s20], [sflag:$0x1] =	stream.linear.gather [hbm4b:s17+s8], $0x2000, $0x38;
	[tilespmem:$0x18400] =	vst v63  }
0x2a: {  	v2 =	vld.msk [tilespmem:$0x8], $0xff;
	_ =	sdelay $0x4  }
0x2b: {  	v3 =	vshll.u32 v2, $0x3  }
0x2c: {  	v2 =	vand.u32 $0x7, v2;
	v3 =	vand.u32 $0xFFFFFFC0, v3  }
0x2d: {  	v2 =	vor.u32 v2, v3  }
0x2e: {  	v2 =	vperm.xlane v2, v0;
	_ =	sdelay $0x1  }
0x2f: {  	v2 =	vadd.s32 v1, v2;
	_ =	sdelay $0x4  }
0x30: {  	[tilespmem:s21], [sflag:$0x2] =	stream.indirect_vreg.gather [hbm4b:s3+s8], $0x80, v2, vm0, $0xb8;
	[tilespmem:$0x18400] =	vst v63  }
0x31: {  	_ = 	snop  }
0x32: {  	[tilespmem:s22], [sflag:$0x2] =	stream.indirect_vreg.gather [hbm4b:s7+s8], $0x80, v2, vm0, $0xb8;
	[tilespmem:$0x18400] =	vst v63  }
0x33: {  	_ = 	snop  }
0x34: {  	[tilespmem:s23], [sflag:$0x2] =	stream.indirect_vreg.gather [hbm4b:s9+s8], $0x80, v2, vm0, $0xb8;
	[tilespmem:$0x18400] =	vst v63  }
0x35: {  	_ = 	snop  }
0x36: {  	[tilespmem:s24], [sflag:$0x2] =	stream.indirect_vreg.gather [hbm4b:s10+s8], $0x80, v2, vm0, $0xb8;
	[tilespmem:$0x18400] =	vst v63  }
0x37: {  	s18 =	rddreg [dreg:$0x7]  }
0x38: {  	[tilespmem:s25], [sflag:$0x2] =	stream.linear.gather [hbm4b:s18+s8], $0x2000, $0x38;
	[tilespmem:$0x18400] =	vst v63  }
0x39: {  	v2 =	vld.msk [tilespmem:$0x10], $0xff;
	_ =	sdelay $0x4  }
0x3a: {  	v3 =	vshll.u32 v2, $0x3  }
0x3b: {  	v2 =	vand.u32 $0x7, v2;
	v3 =	vand.u32 $0xFFFFFFC0, v3  }
0x3c: {  	v2 =	vor.u32 v2, v3  }
0x3d: {  	v2 =	vperm.xlane v2, v0;
	_ =	sdelay $0x1  }
0x3e: {  	v2 =	vadd.s32 v1, v2;
	_ =	sdelay $0x3  }
0x3f: {  	s11 =	simm.s32 $0x10400  }
0x40: {  	[tilespmem:s11], [sflag:$0x3] =	stream.indirect_vreg.gather [hbm4b:s3+s8], $0x80, v2, vm0, $0xb8;
	[tilespmem:$0x18400] =	vst v63  }
0x41: {  	s12 =	simm.s32 $0x10C00  }
0x42: {  	[tilespmem:s12], [sflag:$0x3] =	stream.indirect_vreg.gather [hbm4b:s7+s8], $0x80, v2, vm0, $0xb8;
	[tilespmem:$0x18400] =	vst v63  }
0x43: {  	s13 =	simm.s32 $0x11400  }
0x44: {  	[tilespmem:s13], [sflag:$0x3] =	stream.indirect_vreg.gather [hbm4b:s9+s8], $0x80, v2, vm0, $0xb8;
	[tilespmem:$0x18400] =	vst v63  }
0x45: {  	s17 =	simm.s32 $0x11C00  }
0x46: {  	[tilespmem:s17], [sflag:$0x3] =	stream.indirect_vreg.gather [hbm4b:s10+s8], $0x80, v2, vm0, $0xb8;
	[tilespmem:$0x18400] =	vst v63  }
0x47: {  	s6 =	simm.s32 $0x0;
	s18 =	rddreg [dreg:$0x8];
	s11 =	simm.s32 $0x4400  }
0x48: {  	[tilespmem:s11], [sflag:$0x3] =	stream.linear.gather [hbm4b:s18+s8], $0x2000, $0x38;
	[tilespmem:$0x18400] =	vst v63  }
.LBB2_2:
0x49: {  	s11 =	smul.u32 $0x30, s6;
	_ =	sdelay $0x1  }
0x4a: {  	v2 =	vld.msk [tilespmem:s11+$0x18], $0xff;
	_ =	sdelay $0x4  }
0x4b: {  	v3 =	vshll.u32 v2, $0x3  }
0x4c: {  	v2 =	vand.u32 $0x7, v2;
	v3 =	vand.u32 $0xFFFFFFC0, v3  }
0x4d: {  	v2 =	vor.u32 v2, v3  }
0x4e: {  	v2 =	vperm.xlane v2, v0;
	_ =	sdelay $0x1  }
0x4f: {  	v2 =	vadd.s32 v1, v2;
	_ =	sdelay $0x3  }
0x50: {  	s12 =	simm.s32 $0x0;
	s8 =	simm.s32 $0x12400  }
0x51: {  	[tilespmem:s8], [sflag:$0x4] =	stream.indirect_vreg.gather [hbm4b:s3+s12], $0x80, v2, vm0, $0xb8;
	[tilespmem:$0x18400] =	vst v63  }
0x52: {  	s18 =	simm.s32 $0x12C00;
	s17 =	sadd.s32 $0x18, s11  }
0x53: {  	[tilespmem:s18], [sflag:$0x4] =	stream.indirect_vreg.gather [hbm4b:s7+s12], $0x80, v2, vm0, $0xb8;
	[tilespmem:$0x18400] =	vst v63  }
0x54: {  	s13 =	simm.s32 $0x13400;
	s8 =	sadd.s32 s5, s17  }
0x55: {  	[tilespmem:s13], [sflag:$0x4] =	stream.indirect_vreg.gather [hbm4b:s9+s12], $0x80, v2, vm0, $0xb8;
	[tilespmem:$0x18400] =	vst v63  }
0x56: {  	s8 =	sshll.u32 s8, $0x7;
	s13 =	simm.s32 $0x13C00  }
0x57: {  	[tilespmem:s13], [sflag:$0x4] =	stream.indirect_vreg.gather [hbm4b:s10+s12], $0x80, v2, vm0, $0xb8;
	[tilespmem:$0x18400] =	vst v63  }
0x58: {  	s8 =	sadd.s32 s1, s8;
	s18 =	simm.s32 $0x6400  }
0x59: {  	[tilespmem:s18], [sflag:$0x4] =	stream.linear.gather [hbm4b:s8+s12], $0x2000, $0x38;
	[tilespmem:$0x18400] =	vst v63  }
0x5a: {  	_ =	swait.ge [sflag:s30], $0x2000  }
0x5b: {  	[sflag:s30] =	ssyncset.done $0x0  }
0x5c: {  	[sflag:s30] =	ssyncadd.s32 $0xFFFFE000  }
0x5d: {  	_ =	swait.ge [sflag:s30], $0x2000  }
0x5e: {  	[sflag:s30] =	ssyncset.done $0x0  }
0x5f: {  	s13 =	simm.s32 $0x0;
	[sflag:s30] =	ssyncadd.s32 $0xFFFFE000  }
.LBB2_3:
0x60: {  	s17 =	sshra.s32 s12, $0x2  }
0x61: {  	v2 =	vld [tilespmem:s17+$0x470]  }
0x62: {  	v3 =	vld [tilespmem:s17+$0x400]  }
0x63: {  	v4 =	vld [tilespmem:s17+$0x410]  }
0x64: {  	v5 =	vld [tilespmem:s17+$0x420]  }
0x65: {  	v6 =	vld [tilespmem:s17+$0x430]  }
0x66: {  	v7 =	vld [tilespmem:s17+$0x440]  }
0x67: {  	v8 =	vld [tilespmem:s17+$0x450]  }
0x68: {  	[tilespmem:s17+$0xC470] =	vst.add.f32.msk $0xffff, v2  }
0x69: {  	v2 =	vld [tilespmem:s17+$0x460]  }
0x6a: {  	[tilespmem:s17+$0xC400] =	vst.add.f32.msk $0xffff, v3  }
0x6b: {  	[tilespmem:s17+$0xC410] =	vst.add.f32.msk $0xffff, v4  }
0x6c: {  	[tilespmem:s17+$0xC420] =	vst.add.f32.msk $0xffff, v5  }
0x6d: {  	[tilespmem:s17+$0xC430] =	vst.add.f32.msk $0xffff, v6  }
0x6e: {  	[tilespmem:s17+$0xC440] =	vst.add.f32.msk $0xffff, v7  }
0x6f: {  	s18 =	simm.s32 $0x0;
	s8 =	sadd.s32 $0x1000, s12;
	[tilespmem:s17+$0xC450] =	vst.add.f32.msk $0xffff, v8  }
.LBB2_4:
0x70: {  	s18 =	sadd.s32 $0x8, s18;
	[tilespmem:s17+$0xC460] =	vst.add.f32.msk $0xffff, v2;
	s17 =	sshra.s32 s8, $0x2  }
0x71: {  	v2 =	vld [tilespmem:s17+$0x470];
	p0 =	slt.u32 s18, $0x38  }
0x72: {  	v3 =	vld [tilespmem:s17+$0x400]  }
0x73: {  	v4 =	vld [tilespmem:s17+$0x410]  }
0x74: {  	v5 =	vld [tilespmem:s17+$0x420]  }
0x75: {  	v6 =	vld [tilespmem:s17+$0x430]  }
0x76: {  	[tilespmem:s17+$0xC470] =	vst.add.f32.msk $0xffff, v2  }
0x77: {  	v7 =	vld [tilespmem:s17+$0x440]  }
0x78: {  	v8 =	vld [tilespmem:s17+$0x450]  }
0x79: {  	v2 =	vld [tilespmem:s17+$0x460]  }
0x7a: {  	[tilespmem:s17+$0xC400] =	vst.add.f32.msk $0xffff, v3  }
.Ltmp0:
0x7b: {  	[tilespmem:s17+$0xC410] =	vst.add.f32.msk $0xffff, v4;
	(pc) =	sbr.rel @p0 .LBB2_4-.Ltmp0, $4  }
0x7c: {  	[tilespmem:s17+$0xC420] =	vst.add.f32.msk $0xffff, v5  }
0x7d: {  	[tilespmem:s17+$0xC430] =	vst.add.f32.msk $0xffff, v6  }
0x7e: {  	[tilespmem:s17+$0xC440] =	vst.add.f32.msk $0xffff, v7  }
0x7f: {  	s8 =	sadd.s32 $0x1000, s8;
	[tilespmem:s17+$0xC450] =	vst.add.f32.msk $0xffff, v8  }
0x80: {  	s13 =	sadd.s32 $0x1, s13  }
0x81: {  	p0 =	sne.s32 s13, $0x8  }
.Ltmp1:
0x82: {  	_ = 	snop;
	(pc) =	sbr.rel @p0 .LBB2_3-.Ltmp1, $2  }
0x83: {  	_ =	sdelay $0x2  }
0x84: {  	[tilespmem:s17+$0xC460] =	vst.add.f32.msk $0xffff, v2;
	s12 =	sadd.s32 $0x200, s12  }
0x85: {  	v2 =	vld.msk [tilespmem:s11+$0x20], $0xff;
	_ =	sdelay $0x4  }
0x86: {  	v3 =	vshll.u32 v2, $0x3  }
0x87: {  	v2 =	vand.u32 $0x7, v2;
	v3 =	vand.u32 $0xFFFFFFC0, v3  }
0x88: {  	v2 =	vor.u32 v2, v3  }
0x89: {  	v2 =	vperm.xlane v2, v0;
	_ =	sdelay $0x1  }
0x8a: {  	v2 =	vadd.s32 v1, v2;
	_ =	sdelay $0x3  }
0x8b: {  	s12 =	simm.s32 $0x0;
	s8 =	simm.s32 $0x14400  }
0x8c: {  	[tilespmem:s8], [sflag:$0x5] =	stream.indirect_vreg.gather [hbm4b:s3+s12], $0x80, v2, vm0, $0xb8;
	[tilespmem:$0x18400] =	vst v63  }
0x8d: {  	s18 =	simm.s32 $0x14C00;
	s17 =	sadd.s32 $0x20, s11  }
0x8e: {  	[tilespmem:s18], [sflag:$0x5] =	stream.indirect_vreg.gather [hbm4b:s7+s12], $0x80, v2, vm0, $0xb8;
	[tilespmem:$0x18400] =	vst v63  }
0x8f: {  	s13 =	simm.s32 $0x15400;
	s8 =	sadd.s32 s5, s17  }
0x90: {  	[tilespmem:s13], [sflag:$0x5] =	stream.indirect_vreg.gather [hbm4b:s9+s12], $0x80, v2, vm0, $0xb8;
	[tilespmem:$0x18400] =	vst v63  }
0x91: {  	s8 =	sshll.u32 s8, $0x7;
	s13 =	simm.s32 $0x15C00  }
0x92: {  	[tilespmem:s13], [sflag:$0x5] =	stream.indirect_vreg.gather [hbm4b:s10+s12], $0x80, v2, vm0, $0xb8;
	[tilespmem:$0x18400] =	vst v63  }
0x93: {  	s8 =	sadd.s32 s1, s8;
	s18 =	simm.s32 $0x8400  }
0x94: {  	[tilespmem:s18], [sflag:$0x5] =	stream.linear.gather [hbm4b:s8+s12], $0x2000, $0x38;
	[tilespmem:$0x18400] =	vst v63  }
0x95: {  	_ =	swait.ge [sflag:s14], $0x2000  }
0x96: {  	[sflag:s14] =	ssyncset.done $0x0  }
0x97: {  	[sflag:s14] =	ssyncadd.s32 $0xFFFFE000  }
0x98: {  	_ =	swait.ge [sflag:s14], $0x2000  }
0x99: {  	[sflag:s14] =	ssyncset.done $0x0  }
0x9a: {  	s13 =	simm.s32 $0x0;
	[sflag:s14] =	ssyncadd.s32 $0xFFFFE000  }
.LBB2_7:
0x9b: {  	s17 =	sshra.s32 s12, $0x2  }
0x9c: {  	v2 =	vld [tilespmem:s17+$0x2470]  }
0x9d: {  	v3 =	vld [tilespmem:s17+$0x2400]  }
0x9e: {  	v4 =	vld [tilespmem:s17+$0x2410]  }
0x9f: {  	v5 =	vld [tilespmem:s17+$0x2420]  }
0xa0: {  	v6 =	vld [tilespmem:s17+$0x2430]  }
0xa1: {  	v7 =	vld [tilespmem:s17+$0x2440]  }
0xa2: {  	v8 =	vld [tilespmem:s17+$0x2450]  }
0xa3: {  	[tilespmem:s17+$0xE470] =	vst.add.f32.msk $0xffff, v2  }
0xa4: {  	v2 =	vld [tilespmem:s17+$0x2460]  }
0xa5: {  	[tilespmem:s17+$0xE400] =	vst.add.f32.msk $0xffff, v3  }
0xa6: {  	[tilespmem:s17+$0xE410] =	vst.add.f32.msk $0xffff, v4  }
0xa7: {  	[tilespmem:s17+$0xE420] =	vst.add.f32.msk $0xffff, v5  }
0xa8: {  	[tilespmem:s17+$0xE430] =	vst.add.f32.msk $0xffff, v6  }
0xa9: {  	[tilespmem:s17+$0xE440] =	vst.add.f32.msk $0xffff, v7  }
0xaa: {  	s18 =	simm.s32 $0x0;
	s8 =	sadd.s32 $0x1000, s12;
	[tilespmem:s17+$0xE450] =	vst.add.f32.msk $0xffff, v8  }
.LBB2_8:
0xab: {  	s18 =	sadd.s32 $0x8, s18;
	[tilespmem:s17+$0xE460] =	vst.add.f32.msk $0xffff, v2;
	s17 =	sshra.s32 s8, $0x2  }
0xac: {  	v2 =	vld [tilespmem:s17+$0x2470];
	p0 =	slt.u32 s18, $0x38  }
0xad: {  	v3 =	vld [tilespmem:s17+$0x2400]  }
0xae: {  	v4 =	vld [tilespmem:s17+$0x2410]  }
0xaf: {  	v5 =	vld [tilespmem:s17+$0x2420]  }
0xb0: {  	v6 =	vld [tilespmem:s17+$0x2430]  }
0xb1: {  	[tilespmem:s17+$0xE470] =	vst.add.f32.msk $0xffff, v2  }
0xb2: {  	v7 =	vld [tilespmem:s17+$0x2440]  }
0xb3: {  	v8 =	vld [tilespmem:s17+$0x2450]  }
0xb4: {  	v2 =	vld [tilespmem:s17+$0x2460]  }
0xb5: {  	[tilespmem:s17+$0xE400] =	vst.add.f32.msk $0xffff, v3  }
.Ltmp2:
0xb6: {  	[tilespmem:s17+$0xE410] =	vst.add.f32.msk $0xffff, v4;
	(pc) =	sbr.rel @p0 .LBB2_8-.Ltmp2, $4  }
0xb7: {  	[tilespmem:s17+$0xE420] =	vst.add.f32.msk $0xffff, v5  }
0xb8: {  	[tilespmem:s17+$0xE430] =	vst.add.f32.msk $0xffff, v6  }
0xb9: {  	[tilespmem:s17+$0xE440] =	vst.add.f32.msk $0xffff, v7  }
0xba: {  	s8 =	sadd.s32 $0x1000, s8;
	[tilespmem:s17+$0xE450] =	vst.add.f32.msk $0xffff, v8  }
0xbb: {  	s13 =	sadd.s32 $0x1, s13  }
0xbc: {  	p0 =	sne.s32 s13, $0x8  }
.Ltmp3:
0xbd: {  	_ = 	snop;
	(pc) =	sbr.rel @p0 .LBB2_7-.Ltmp3, $2  }
0xbe: {  	_ =	sdelay $0x2  }
0xbf: {  	[tilespmem:s17+$0xE460] =	vst.add.f32.msk $0xffff, v2;
	s12 =	sadd.s32 $0x200, s12  }
0xc0: {  	v2 =	vld.msk [tilespmem:s11+$0x28], $0xff;
	_ =	sdelay $0x4  }
0xc1: {  	v3 =	vshll.u32 v2, $0x3  }
0xc2: {  	v2 =	vand.u32 $0x7, v2;
	v3 =	vand.u32 $0xFFFFFFC0, v3  }
0xc3: {  	v2 =	vor.u32 v2, v3  }
0xc4: {  	v2 =	vperm.xlane v2, v0;
	_ =	sdelay $0x1  }
0xc5: {  	v2 =	vadd.s32 v1, v2;
	_ =	sdelay $0x3  }
0xc6: {  	s12 =	simm.s32 $0x0;
	s8 =	simm.s32 $0x16400  }
0xc7: {  	[tilespmem:s8], [sflag:$0x6] =	stream.indirect_vreg.gather [hbm4b:s3+s12], $0x80, v2, vm0, $0xb8;
	[tilespmem:$0x18400] =	vst v63  }
0xc8: {  	s18 =	sadd.s32 $0x28, s11  }
0xc9: {  	[tilespmem:s15], [sflag:$0x6] =	stream.indirect_vreg.gather [hbm4b:s7+s12], $0x80, v2, vm0, $0xb8;
	[tilespmem:$0x18400] =	vst v63  }
0xca: {  	s8 =	sadd.s32 s5, s18  }
0xcb: {  	[tilespmem:s4], [sflag:$0x6] =	stream.indirect_vreg.gather [hbm4b:s9+s12], $0x80, v2, vm0, $0xb8;
	[tilespmem:$0x18400] =	vst v63  }
0xcc: {  	s8 =	sshll.u32 s8, $0x7  }
0xcd: {  	[tilespmem:s0], [sflag:$0x6] =	stream.indirect_vreg.gather [hbm4b:s10+s12], $0x80, v2, vm0, $0xb8;
	[tilespmem:$0x18400] =	vst v63  }
0xce: {  	s8 =	sadd.s32 s1, s8  }
0xcf: {  	[tilespmem:s2], [sflag:$0x6] =	stream.linear.gather [hbm4b:s8+s12], $0x2000, $0x38;
	[tilespmem:$0x18400] =	vst v63  }
0xd0: {  	_ =	swait.ge [sflag:s26], $0x2000  }
0xd1: {  	[sflag:s26] =	ssyncset.done $0x0  }
0xd2: {  	[sflag:s26] =	ssyncadd.s32 $0xFFFFE000  }
0xd3: {  	_ =	swait.ge [sflag:s26], $0x2000  }
0xd4: {  	[sflag:s26] =	ssyncset.done $0x0  }
0xd5: {  	s13 =	simm.s32 $0x0;
	[sflag:s26] =	ssyncadd.s32 $0xFFFFE000  }
.LBB2_11:
0xd6: {  	s17 =	sshra.s32 s12, $0x2  }
0xd7: {  	v2 =	vld [tilespmem:s17+$0x4470]  }
0xd8: {  	v3 =	vld [tilespmem:s17+$0x4400]  }
0xd9: {  	v4 =	vld [tilespmem:s17+$0x4410]  }
0xda: {  	v5 =	vld [tilespmem:s17+$0x4420]  }
0xdb: {  	v6 =	vld [tilespmem:s17+$0x4430]  }
0xdc: {  	v7 =	vld [tilespmem:s17+$0x4440]  }
0xdd: {  	v8 =	vld [tilespmem:s17+$0x4450]  }
0xde: {  	[tilespmem:s17+$0x10470] =	vst.add.f32.msk $0xffff, v2  }
0xdf: {  	v2 =	vld [tilespmem:s17+$0x4460]  }
0xe0: {  	[tilespmem:s17+$0x10400] =	vst.add.f32.msk $0xffff, v3  }
0xe1: {  	[tilespmem:s17+$0x10410] =	vst.add.f32.msk $0xffff, v4  }
0xe2: {  	[tilespmem:s17+$0x10420] =	vst.add.f32.msk $0xffff, v5  }
0xe3: {  	[tilespmem:s17+$0x10430] =	vst.add.f32.msk $0xffff, v6  }
0xe4: {  	[tilespmem:s17+$0x10440] =	vst.add.f32.msk $0xffff, v7  }
0xe5: {  	s18 =	simm.s32 $0x0;
	s8 =	sadd.s32 $0x1000, s12;
	[tilespmem:s17+$0x10450] =	vst.add.f32.msk $0xffff, v8  }
.LBB2_12:
0xe6: {  	s18 =	sadd.s32 $0x8, s18;
	[tilespmem:s17+$0x10460] =	vst.add.f32.msk $0xffff, v2;
	s17 =	sshra.s32 s8, $0x2  }
0xe7: {  	v2 =	vld [tilespmem:s17+$0x4470];
	p0 =	slt.u32 s18, $0x38  }
0xe8: {  	v3 =	vld [tilespmem:s17+$0x4400]  }
0xe9: {  	v4 =	vld [tilespmem:s17+$0x4410]  }
0xea: {  	v5 =	vld [tilespmem:s17+$0x4420]  }
0xeb: {  	v6 =	vld [tilespmem:s17+$0x4430]  }
0xec: {  	[tilespmem:s17+$0x10470] =	vst.add.f32.msk $0xffff, v2  }
0xed: {  	v7 =	vld [tilespmem:s17+$0x4440]  }
0xee: {  	v8 =	vld [tilespmem:s17+$0x4450]  }
0xef: {  	v2 =	vld [tilespmem:s17+$0x4460]  }
0xf0: {  	[tilespmem:s17+$0x10400] =	vst.add.f32.msk $0xffff, v3  }
.Ltmp4:
0xf1: {  	[tilespmem:s17+$0x10410] =	vst.add.f32.msk $0xffff, v4;
	(pc) =	sbr.rel @p0 .LBB2_12-.Ltmp4, $4  }
0xf2: {  	[tilespmem:s17+$0x10420] =	vst.add.f32.msk $0xffff, v5  }
0xf3: {  	[tilespmem:s17+$0x10430] =	vst.add.f32.msk $0xffff, v6  }
0xf4: {  	[tilespmem:s17+$0x10440] =	vst.add.f32.msk $0xffff, v7  }
0xf5: {  	s8 =	sadd.s32 $0x1000, s8;
	[tilespmem:s17+$0x10450] =	vst.add.f32.msk $0xffff, v8  }
0xf6: {  	s13 =	sadd.s32 $0x1, s13  }
0xf7: {  	p0 =	sne.s32 s13, $0x8  }
.Ltmp5:
0xf8: {  	_ = 	snop;
	(pc) =	sbr.rel @p0 .LBB2_11-.Ltmp5, $2  }
0xf9: {  	_ =	sdelay $0x2  }
0xfa: {  	[tilespmem:s17+$0x10460] =	vst.add.f32.msk $0xffff, v2;
	s12 =	sadd.s32 $0x200, s12  }
0xfb: {  	v2 =	vld.msk [tilespmem:s11+$0x30], $0xff;
	_ =	sdelay $0x4  }
0xfc: {  	v3 =	vshll.u32 v2, $0x3  }
0xfd: {  	v2 =	vand.u32 $0x7, v2;
	v3 =	vand.u32 $0xFFFFFFC0, v3  }
0xfe: {  	v2 =	vor.u32 v2, v3  }
0xff: {  	v2 =	vperm.xlane v2, v0;
	_ =	sdelay $0x1  }
0x100: {  	v2 =	vadd.s32 v1, v2;
	_ =	sdelay $0x3  }
0x101: {  	s12 =	simm.s32 $0x0  }
0x102: {  	[tilespmem:s16], [sflag:$0x1] =	stream.indirect_vreg.gather [hbm4b:s3+s12], $0x80, v2, vm0, $0xb8;
	[tilespmem:$0x18400] =	vst v63  }
0x103: {  	s8 =	simm.s32 $0xCC00;
	s18 =	sadd.s32 $0x30, s11  }
0x104: {  	[tilespmem:s8], [sflag:$0x1] =	stream.indirect_vreg.gather [hbm4b:s7+s12], $0x80, v2, vm0, $0xb8;
	[tilespmem:$0x18400] =	vst v63  }
0x105: {  	s17 =	simm.s32 $0xD400;
	s8 =	sadd.s32 s5, s18  }
0x106: {  	[tilespmem:s17], [sflag:$0x1] =	stream.indirect_vreg.gather [hbm4b:s9+s12], $0x80, v2, vm0, $0xb8;
	[tilespmem:$0x18400] =	vst v63  }
0x107: {  	s8 =	sshll.u32 s8, $0x7  }
0x108: {  	[tilespmem:s19], [sflag:$0x1] =	stream.indirect_vreg.gather [hbm4b:s10+s12], $0x80, v2, vm0, $0xb8;
	[tilespmem:$0x18400] =	vst v63  }
0x109: {  	s8 =	sadd.s32 s1, s8  }
0x10a: {  	[tilespmem:s20], [sflag:$0x1] =	stream.linear.gather [hbm4b:s8+s12], $0x2000, $0x38;
	[tilespmem:$0x18400] =	vst v63  }
0x10b: {  	_ =	swait.ge [sflag:s28], $0x2000  }
0x10c: {  	[sflag:s28] =	ssyncset.done $0x0  }
0x10d: {  	[sflag:s28] =	ssyncadd.s32 $0xFFFFE000  }
0x10e: {  	_ =	swait.ge [sflag:s28], $0x2000  }
0x10f: {  	[sflag:s28] =	ssyncset.done $0x0  }
0x110: {  	s13 =	simm.s32 $0x0;
	[sflag:s28] =	ssyncadd.s32 $0xFFFFE000  }
.LBB2_15:
0x111: {  	s17 =	sshra.s32 s12, $0x2  }
0x112: {  	v2 =	vld [tilespmem:s17+$0x6470]  }
0x113: {  	v3 =	vld [tilespmem:s17+$0x6400]  }
0x114: {  	v4 =	vld [tilespmem:s17+$0x6410]  }
0x115: {  	v5 =	vld [tilespmem:s17+$0x6420]  }
0x116: {  	v6 =	vld [tilespmem:s17+$0x6430]  }
0x117: {  	v7 =	vld [tilespmem:s17+$0x6440]  }
0x118: {  	v8 =	vld [tilespmem:s17+$0x6450]  }
0x119: {  	[tilespmem:s17+$0x12470] =	vst.add.f32.msk $0xffff, v2  }
0x11a: {  	v2 =	vld [tilespmem:s17+$0x6460]  }
0x11b: {  	[tilespmem:s17+$0x12400] =	vst.add.f32.msk $0xffff, v3  }
0x11c: {  	[tilespmem:s17+$0x12410] =	vst.add.f32.msk $0xffff, v4  }
0x11d: {  	[tilespmem:s17+$0x12420] =	vst.add.f32.msk $0xffff, v5  }
0x11e: {  	[tilespmem:s17+$0x12430] =	vst.add.f32.msk $0xffff, v6  }
0x11f: {  	[tilespmem:s17+$0x12440] =	vst.add.f32.msk $0xffff, v7  }
0x120: {  	s18 =	simm.s32 $0x0;
	s8 =	sadd.s32 $0x1000, s12;
	[tilespmem:s17+$0x12450] =	vst.add.f32.msk $0xffff, v8  }
.LBB2_16:
0x121: {  	s18 =	sadd.s32 $0x8, s18;
	[tilespmem:s17+$0x12460] =	vst.add.f32.msk $0xffff, v2;
	s17 =	sshra.s32 s8, $0x2  }
0x122: {  	v2 =	vld [tilespmem:s17+$0x6470];
	p0 =	slt.u32 s18, $0x38  }
0x123: {  	v3 =	vld [tilespmem:s17+$0x6400]  }
0x124: {  	v4 =	vld [tilespmem:s17+$0x6410]  }
0x125: {  	v5 =	vld [tilespmem:s17+$0x6420]  }
0x126: {  	v6 =	vld [tilespmem:s17+$0x6430]  }
0x127: {  	[tilespmem:s17+$0x12470] =	vst.add.f32.msk $0xffff, v2  }
0x128: {  	v7 =	vld [tilespmem:s17+$0x6440]  }
0x129: {  	v8 =	vld [tilespmem:s17+$0x6450]  }
0x12a: {  	v2 =	vld [tilespmem:s17+$0x6460]  }
0x12b: {  	[tilespmem:s17+$0x12400] =	vst.add.f32.msk $0xffff, v3  }
.Ltmp6:
0x12c: {  	[tilespmem:s17+$0x12410] =	vst.add.f32.msk $0xffff, v4;
	(pc) =	sbr.rel @p0 .LBB2_16-.Ltmp6, $4  }
0x12d: {  	[tilespmem:s17+$0x12420] =	vst.add.f32.msk $0xffff, v5  }
0x12e: {  	[tilespmem:s17+$0x12430] =	vst.add.f32.msk $0xffff, v6  }
0x12f: {  	[tilespmem:s17+$0x12440] =	vst.add.f32.msk $0xffff, v7  }
0x130: {  	s8 =	sadd.s32 $0x1000, s8;
	[tilespmem:s17+$0x12450] =	vst.add.f32.msk $0xffff, v8  }
0x131: {  	s13 =	sadd.s32 $0x1, s13  }
0x132: {  	p0 =	sne.s32 s13, $0x8  }
.Ltmp7:
0x133: {  	_ = 	snop;
	(pc) =	sbr.rel @p0 .LBB2_15-.Ltmp7, $2  }
0x134: {  	_ =	sdelay $0x2  }
0x135: {  	[tilespmem:s17+$0x12460] =	vst.add.f32.msk $0xffff, v2;
	s12 =	sadd.s32 $0x200, s12  }
0x136: {  	v2 =	vld.msk [tilespmem:s11+$0x38], $0xff;
	_ =	sdelay $0x4  }
0x137: {  	v3 =	vshll.u32 v2, $0x3  }
0x138: {  	v2 =	vand.u32 $0x7, v2;
	v3 =	vand.u32 $0xFFFFFFC0, v3  }
0x139: {  	v2 =	vor.u32 v2, v3  }
0x13a: {  	v2 =	vperm.xlane v2, v0;
	_ =	sdelay $0x1  }
0x13b: {  	v2 =	vadd.s32 v1, v2;
	_ =	sdelay $0x3  }
0x13c: {  	s12 =	simm.s32 $0x0  }
0x13d: {  	[tilespmem:s21], [sflag:$0x2] =	stream.indirect_vreg.gather [hbm4b:s3+s12], $0x80, v2, vm0, $0xb8;
	[tilespmem:$0x18400] =	vst v63  }
0x13e: {  	s8 =	sadd.s32 $0x38, s11  }
0x13f: {  	[tilespmem:s22], [sflag:$0x2] =	stream.indirect_vreg.gather [hbm4b:s7+s12], $0x80, v2, vm0, $0xb8;
	[tilespmem:$0x18400] =	vst v63  }
0x140: {  	s8 =	sadd.s32 s5, s8  }
0x141: {  	[tilespmem:s23], [sflag:$0x2] =	stream.indirect_vreg.gather [hbm4b:s9+s12], $0x80, v2, vm0, $0xb8;
	[tilespmem:$0x18400] =	vst v63  }
0x142: {  	s8 =	sshll.u32 s8, $0x7  }
0x143: {  	[tilespmem:s24], [sflag:$0x2] =	stream.indirect_vreg.gather [hbm4b:s10+s12], $0x80, v2, vm0, $0xb8;
	[tilespmem:$0x18400] =	vst v63  }
0x144: {  	s8 =	sadd.s32 s1, s8  }
0x145: {  	[tilespmem:s25], [sflag:$0x2] =	stream.linear.gather [hbm4b:s8+s12], $0x2000, $0x38;
	[tilespmem:$0x18400] =	vst v63  }
0x146: {  	_ =	swait.ge [sflag:s29], $0x2000  }
0x147: {  	[sflag:s29] =	ssyncset.done $0x0  }
0x148: {  	[sflag:s29] =	ssyncadd.s32 $0xFFFFE000  }
0x149: {  	_ =	swait.ge [sflag:s29], $0x2000  }
0x14a: {  	[sflag:s29] =	ssyncset.done $0x0  }
0x14b: {  	s13 =	simm.s32 $0x0;
	[sflag:s29] =	ssyncadd.s32 $0xFFFFE000  }
.LBB2_19:
0x14c: {  	s17 =	sshra.s32 s12, $0x2  }
0x14d: {  	v2 =	vld [tilespmem:s17+$0x8470]  }
0x14e: {  	v3 =	vld [tilespmem:s17+$0x8400]  }
0x14f: {  	v4 =	vld [tilespmem:s17+$0x8410]  }
0x150: {  	v5 =	vld [tilespmem:s17+$0x8420]  }
0x151: {  	v6 =	vld [tilespmem:s17+$0x8430]  }
0x152: {  	v7 =	vld [tilespmem:s17+$0x8440]  }
0x153: {  	v8 =	vld [tilespmem:s17+$0x8450]  }
0x154: {  	[tilespmem:s17+$0x14470] =	vst.add.f32.msk $0xffff, v2  }
0x155: {  	v2 =	vld [tilespmem:s17+$0x8460]  }
0x156: {  	[tilespmem:s17+$0x14400] =	vst.add.f32.msk $0xffff, v3  }
0x157: {  	[tilespmem:s17+$0x14410] =	vst.add.f32.msk $0xffff, v4  }
0x158: {  	[tilespmem:s17+$0x14420] =	vst.add.f32.msk $0xffff, v5  }
0x159: {  	[tilespmem:s17+$0x14430] =	vst.add.f32.msk $0xffff, v6  }
0x15a: {  	[tilespmem:s17+$0x14440] =	vst.add.f32.msk $0xffff, v7  }
0x15b: {  	s18 =	simm.s32 $0x0;
	s8 =	sadd.s32 $0x1000, s12;
	[tilespmem:s17+$0x14450] =	vst.add.f32.msk $0xffff, v8  }
.LBB2_20:
0x15c: {  	s18 =	sadd.s32 $0x8, s18;
	[tilespmem:s17+$0x14460] =	vst.add.f32.msk $0xffff, v2;
	s17 =	sshra.s32 s8, $0x2  }
0x15d: {  	v2 =	vld [tilespmem:s17+$0x8470];
	p0 =	slt.u32 s18, $0x38  }
0x15e: {  	v3 =	vld [tilespmem:s17+$0x8400]  }
0x15f: {  	v4 =	vld [tilespmem:s17+$0x8410]  }
0x160: {  	v5 =	vld [tilespmem:s17+$0x8420]  }
0x161: {  	v6 =	vld [tilespmem:s17+$0x8430]  }
0x162: {  	[tilespmem:s17+$0x14470] =	vst.add.f32.msk $0xffff, v2  }
0x163: {  	v7 =	vld [tilespmem:s17+$0x8440]  }
0x164: {  	v8 =	vld [tilespmem:s17+$0x8450]  }
0x165: {  	v2 =	vld [tilespmem:s17+$0x8460]  }
0x166: {  	[tilespmem:s17+$0x14400] =	vst.add.f32.msk $0xffff, v3  }
.Ltmp8:
0x167: {  	[tilespmem:s17+$0x14410] =	vst.add.f32.msk $0xffff, v4;
	(pc) =	sbr.rel @p0 .LBB2_20-.Ltmp8, $4  }
0x168: {  	[tilespmem:s17+$0x14420] =	vst.add.f32.msk $0xffff, v5  }
0x169: {  	[tilespmem:s17+$0x14430] =	vst.add.f32.msk $0xffff, v6  }
0x16a: {  	[tilespmem:s17+$0x14440] =	vst.add.f32.msk $0xffff, v7  }
0x16b: {  	s8 =	sadd.s32 $0x1000, s8;
	[tilespmem:s17+$0x14450] =	vst.add.f32.msk $0xffff, v8  }
0x16c: {  	s13 =	sadd.s32 $0x1, s13  }
0x16d: {  	p0 =	sne.s32 s13, $0x8  }
.Ltmp9:
0x16e: {  	_ = 	snop;
	(pc) =	sbr.rel @p0 .LBB2_19-.Ltmp9, $2  }
0x16f: {  	_ =	sdelay $0x2  }
0x170: {  	[tilespmem:s17+$0x14460] =	vst.add.f32.msk $0xffff, v2;
	s12 =	sadd.s32 $0x200, s12  }
0x171: {  	p0 =	seq.s32 s6, $0x14  }
0x172: {  	v2 =	vld.msk @!p0 [tilespmem:s11+$0x40], $0xff;
	_ =	sdelay $0x4  }
0x173: {  	v3 =	vshll.u32 @!p0 v2, $0x3  }
0x174: {  	v4 =	vlaneseq.u32 @!p0;
	v2 =	vand.u32 @!p0 $0x7, v2;
	v3 =	vand.u32 @!p0 $0xFFFFFFC0, v3  }
0x175: {  	v2 =	vor.u32 @!p0 v2, v3;
	v3 =	vand.u32 @!p0 $0x7, v4;
	v4 =	vshrl.u32 @!p0 v4, $0x3  }
0x176: {  	v2 =	vperm.xlane @!p0 v2, v3;
	v3 =	vmul.u32 @!p0 $0x8, v4;
	_ =	sdelay $0x1  }
0x177: {  	v2 =	vadd.s32 @!p0 v3, v2;
	_ =	sdelay $0x3  }
0x178: {  	vm1 =	vmmov @!p0 $0xffff;
	s8 =	simm.s32 @!p0 $0x0;
	s12 =	simm.s32 @!p0 $0x10400  }
0x179: {  	[tilespmem:s12], [sflag:$0x3] =	stream.indirect_vreg.gather @!p0 [hbm4b:s3+s8], $0x80, v2, vm1, $0xb8;
	[tilespmem:$0x18400] =	vst v63  }
0x17a: {  	s11 =	sadd.s32 @!p0 $0x40, s11;
	s12 =	simm.s32 @!p0 $0x10C00  }
0x17b: {  	[tilespmem:s12], [sflag:$0x3] =	stream.indirect_vreg.gather @!p0 [hbm4b:s7+s8], $0x80, v2, vm1, $0xb8;
	[tilespmem:$0x18400] =	vst v63  }
0x17c: {  	s11 =	sadd.s32 @!p0 s5, s11;
	s12 =	simm.s32 @!p0 $0x11400  }
0x17d: {  	[tilespmem:s12], [sflag:$0x3] =	stream.indirect_vreg.gather @!p0 [hbm4b:s9+s8], $0x80, v2, vm1, $0xb8;
	[tilespmem:$0x18400] =	vst v63  }
0x17e: {  	s11 =	sshll.u32 @!p0 s11, $0x7;
	s12 =	simm.s32 @!p0 $0x11C00  }
0x17f: {  	[tilespmem:s12], [sflag:$0x3] =	stream.indirect_vreg.gather @!p0 [hbm4b:s10+s8], $0x80, v2, vm1, $0xb8;
	[tilespmem:$0x18400] =	vst v63  }
0x180: {  	s11 =	sadd.s32 @!p0 s1, s11;
	s12 =	simm.s32 @!p0 $0x4400  }
0x181: {  	[tilespmem:s12], [sflag:$0x3] =	stream.linear.gather @!p0 [hbm4b:s11+s8], $0x2000, $0x38;
	[tilespmem:$0x18400] =	vst v63  }
0x182: {  	_ =	swait.ge [sflag:s31], $0x2000  }
0x183: {  	[sflag:s31] =	ssyncset.done $0x0  }
0x184: {  	[sflag:s31] =	ssyncadd.s32 $0xFFFFE000  }
0x185: {  	_ =	swait.ge [sflag:s31], $0x2000  }
0x186: {  	[sflag:s31] =	ssyncset.done $0x0  }
0x187: {  	s11 =	simm.s32 $0x0;
	s12 =	simm.s32 $0x0;
	[sflag:s31] =	ssyncadd.s32 $0xFFFFE000  }
.LBB2_23:
0x188: {  	s13 =	sshra.s32 s11, $0x2  }
0x189: {  	v2 =	vld [tilespmem:s13+$0xA470]  }
0x18a: {  	v3 =	vld [tilespmem:s13+$0xA400]  }
0x18b: {  	v4 =	vld [tilespmem:s13+$0xA410]  }
0x18c: {  	v5 =	vld [tilespmem:s13+$0xA420]  }
0x18d: {  	v6 =	vld [tilespmem:s13+$0xA430]  }
0x18e: {  	v7 =	vld [tilespmem:s13+$0xA440]  }
0x18f: {  	v8 =	vld [tilespmem:s13+$0xA450]  }
0x190: {  	[tilespmem:s13+$0x16470] =	vst.add.f32.msk $0xffff, v2  }
0x191: {  	v2 =	vld [tilespmem:s13+$0xA460]  }
0x192: {  	[tilespmem:s13+$0x16400] =	vst.add.f32.msk $0xffff, v3  }
0x193: {  	[tilespmem:s13+$0x16410] =	vst.add.f32.msk $0xffff, v4  }
0x194: {  	[tilespmem:s13+$0x16420] =	vst.add.f32.msk $0xffff, v5  }
0x195: {  	[tilespmem:s13+$0x16430] =	vst.add.f32.msk $0xffff, v6  }
0x196: {  	[tilespmem:s13+$0x16440] =	vst.add.f32.msk $0xffff, v7  }
0x197: {  	s17 =	simm.s32 $0x0;
	s8 =	sadd.s32 $0x1000, s11;
	[tilespmem:s13+$0x16450] =	vst.add.f32.msk $0xffff, v8  }
.LBB2_24:
0x198: {  	s17 =	sadd.s32 $0x8, s17;
	[tilespmem:s13+$0x16460] =	vst.add.f32.msk $0xffff, v2;
	s13 =	sshra.s32 s8, $0x2  }
0x199: {  	v2 =	vld [tilespmem:s13+$0xA470];
	p0 =	slt.u32 s17, $0x38  }
0x19a: {  	v3 =	vld [tilespmem:s13+$0xA400]  }
0x19b: {  	v4 =	vld [tilespmem:s13+$0xA410]  }
0x19c: {  	v5 =	vld [tilespmem:s13+$0xA420]  }
0x19d: {  	v6 =	vld [tilespmem:s13+$0xA430]  }
0x19e: {  	[tilespmem:s13+$0x16470] =	vst.add.f32.msk $0xffff, v2  }
0x19f: {  	v7 =	vld [tilespmem:s13+$0xA440]  }
0x1a0: {  	v8 =	vld [tilespmem:s13+$0xA450]  }
0x1a1: {  	v2 =	vld [tilespmem:s13+$0xA460]  }
0x1a2: {  	[tilespmem:s13+$0x16400] =	vst.add.f32.msk $0xffff, v3  }
.Ltmp10:
0x1a3: {  	[tilespmem:s13+$0x16410] =	vst.add.f32.msk $0xffff, v4;
	(pc) =	sbr.rel @p0 .LBB2_24-.Ltmp10, $4  }
0x1a4: {  	[tilespmem:s13+$0x16420] =	vst.add.f32.msk $0xffff, v5  }
0x1a5: {  	[tilespmem:s13+$0x16430] =	vst.add.f32.msk $0xffff, v6  }
0x1a6: {  	[tilespmem:s13+$0x16440] =	vst.add.f32.msk $0xffff, v7  }
0x1a7: {  	s8 =	sadd.s32 $0x1000, s8;
	[tilespmem:s13+$0x16450] =	vst.add.f32.msk $0xffff, v8  }
0x1a8: {  	s12 =	sadd.s32 $0x1, s12  }
0x1a9: {  	p0 =	sne.s32 s12, $0x8  }
.Ltmp11:
0x1aa: {  	_ = 	snop;
	(pc) =	sbr.rel @p0 .LBB2_23-.Ltmp11, $2  }
0x1ab: {  	_ =	sdelay $0x2  }
0x1ac: {  	[tilespmem:s13+$0x16460] =	vst.add.f32.msk $0xffff, v2;
	s11 =	sadd.s32 $0x200, s11  }
0x1ad: {  	s6 =	sadd.s32 $0x1, s6  }
0x1ae: {  	p0 =	sne.s32 s6, $0x15  }
.Ltmp12:
0x1af: {  	_ = 	snop;
	(pc) =	sbr.rel @p0 .LBB2_2-.Ltmp12, $1  }
0x1b0: {  	_ =	sdelay $0x3  }
0x1b1: {  	_ =	swait.ge [sflag:s30], $0x2000  }
0x1b2: {  	[sflag:s30] =	ssyncset.done $0x0  }
0x1b3: {  	[sflag:s30] =	ssyncadd.s32 $0xFFFFE000  }
0x1b4: {  	_ =	swait.ge [sflag:s30], $0x2000  }
0x1b5: {  	[sflag:s30] =	ssyncset.done $0x0  }
0x1b6: {  	s6 =	simm.s32 $0x0;
	s11 =	simm.s32 $0x0;
	[sflag:s30] =	ssyncadd.s32 $0xFFFFE000  }
.LBB2_28:
0x1b7: {  	s12 =	sshra.s32 s6, $0x2  }
0x1b8: {  	v2 =	vld [tilespmem:s12+$0x470]  }
0x1b9: {  	v3 =	vld [tilespmem:s12+$0x400]  }
0x1ba: {  	v4 =	vld [tilespmem:s12+$0x410]  }
0x1bb: {  	v5 =	vld [tilespmem:s12+$0x420]  }
0x1bc: {  	v6 =	vld [tilespmem:s12+$0x430]  }
0x1bd: {  	v7 =	vld [tilespmem:s12+$0x440]  }
0x1be: {  	v8 =	vld [tilespmem:s12+$0x450]  }
0x1bf: {  	[tilespmem:s12+$0xC470] =	vst.add.f32.msk $0xffff, v2  }
0x1c0: {  	v2 =	vld [tilespmem:s12+$0x460]  }
0x1c1: {  	[tilespmem:s12+$0xC400] =	vst.add.f32.msk $0xffff, v3  }
0x1c2: {  	[tilespmem:s12+$0xC410] =	vst.add.f32.msk $0xffff, v4  }
0x1c3: {  	[tilespmem:s12+$0xC420] =	vst.add.f32.msk $0xffff, v5  }
0x1c4: {  	[tilespmem:s12+$0xC430] =	vst.add.f32.msk $0xffff, v6  }
0x1c5: {  	[tilespmem:s12+$0xC440] =	vst.add.f32.msk $0xffff, v7  }
0x1c6: {  	s13 =	simm.s32 $0x0;
	s8 =	sadd.s32 $0x1000, s6;
	[tilespmem:s12+$0xC450] =	vst.add.f32.msk $0xffff, v8  }
.LBB2_29:
0x1c7: {  	s13 =	sadd.s32 $0x8, s13;
	[tilespmem:s12+$0xC460] =	vst.add.f32.msk $0xffff, v2;
	s12 =	sshra.s32 s8, $0x2  }
0x1c8: {  	v2 =	vld [tilespmem:s12+$0x470];
	p0 =	slt.u32 s13, $0x38  }
0x1c9: {  	v3 =	vld [tilespmem:s12+$0x400]  }
0x1ca: {  	v4 =	vld [tilespmem:s12+$0x410]  }
0x1cb: {  	v5 =	vld [tilespmem:s12+$0x420]  }
0x1cc: {  	v6 =	vld [tilespmem:s12+$0x430]  }
0x1cd: {  	[tilespmem:s12+$0xC470] =	vst.add.f32.msk $0xffff, v2  }
0x1ce: {  	v7 =	vld [tilespmem:s12+$0x440]  }
0x1cf: {  	v8 =	vld [tilespmem:s12+$0x450]  }
0x1d0: {  	v2 =	vld [tilespmem:s12+$0x460]  }
0x1d1: {  	[tilespmem:s12+$0xC400] =	vst.add.f32.msk $0xffff, v3  }
.Ltmp13:
0x1d2: {  	[tilespmem:s12+$0xC410] =	vst.add.f32.msk $0xffff, v4;
	(pc) =	sbr.rel @p0 .LBB2_29-.Ltmp13, $4  }
0x1d3: {  	[tilespmem:s12+$0xC420] =	vst.add.f32.msk $0xffff, v5  }
0x1d4: {  	[tilespmem:s12+$0xC430] =	vst.add.f32.msk $0xffff, v6  }
0x1d5: {  	[tilespmem:s12+$0xC440] =	vst.add.f32.msk $0xffff, v7  }
0x1d6: {  	s8 =	sadd.s32 $0x1000, s8;
	[tilespmem:s12+$0xC450] =	vst.add.f32.msk $0xffff, v8  }
0x1d7: {  	s11 =	sadd.s32 $0x1, s11  }
0x1d8: {  	p0 =	sne.s32 s11, $0x8  }
.Ltmp14:
0x1d9: {  	_ = 	snop;
	(pc) =	sbr.rel @p0 .LBB2_28-.Ltmp14, $2  }
0x1da: {  	_ =	sdelay $0x2  }
0x1db: {  	[tilespmem:s12+$0xC460] =	vst.add.f32.msk $0xffff, v2;
	s6 =	sadd.s32 $0x200, s6  }
0x1dc: {  	_ =	swait.ge [sflag:s14], $0x2000  }
0x1dd: {  	[sflag:s14] =	ssyncset.done $0x0  }
0x1de: {  	[sflag:s14] =	ssyncadd.s32 $0xFFFFE000  }
0x1df: {  	_ =	swait.ge [sflag:s14], $0x2000  }
0x1e0: {  	[sflag:s14] =	ssyncset.done $0x0  }
0x1e1: {  	s6 =	simm.s32 $0x0;
	s11 =	simm.s32 $0x0;
	[sflag:s14] =	ssyncadd.s32 $0xFFFFE000  }
.LBB2_32:
0x1e2: {  	s12 =	sshra.s32 s6, $0x2  }
0x1e3: {  	v2 =	vld [tilespmem:s12+$0x2470]  }
0x1e4: {  	v3 =	vld [tilespmem:s12+$0x2400]  }
0x1e5: {  	v4 =	vld [tilespmem:s12+$0x2410]  }
0x1e6: {  	v5 =	vld [tilespmem:s12+$0x2420]  }
0x1e7: {  	v6 =	vld [tilespmem:s12+$0x2430]  }
0x1e8: {  	v7 =	vld [tilespmem:s12+$0x2440]  }
0x1e9: {  	v8 =	vld [tilespmem:s12+$0x2450]  }
0x1ea: {  	[tilespmem:s12+$0xE470] =	vst.add.f32.msk $0xffff, v2  }
0x1eb: {  	v2 =	vld [tilespmem:s12+$0x2460]  }
0x1ec: {  	[tilespmem:s12+$0xE400] =	vst.add.f32.msk $0xffff, v3  }
0x1ed: {  	[tilespmem:s12+$0xE410] =	vst.add.f32.msk $0xffff, v4  }
0x1ee: {  	[tilespmem:s12+$0xE420] =	vst.add.f32.msk $0xffff, v5  }
0x1ef: {  	[tilespmem:s12+$0xE430] =	vst.add.f32.msk $0xffff, v6  }
0x1f0: {  	[tilespmem:s12+$0xE440] =	vst.add.f32.msk $0xffff, v7  }
0x1f1: {  	s13 =	simm.s32 $0x0;
	s8 =	sadd.s32 $0x1000, s6;
	[tilespmem:s12+$0xE450] =	vst.add.f32.msk $0xffff, v8  }
.LBB2_33:
0x1f2: {  	s13 =	sadd.s32 $0x8, s13;
	[tilespmem:s12+$0xE460] =	vst.add.f32.msk $0xffff, v2;
	s12 =	sshra.s32 s8, $0x2  }
0x1f3: {  	v2 =	vld [tilespmem:s12+$0x2470];
	p0 =	slt.u32 s13, $0x38  }
0x1f4: {  	v3 =	vld [tilespmem:s12+$0x2400]  }
0x1f5: {  	v4 =	vld [tilespmem:s12+$0x2410]  }
0x1f6: {  	v5 =	vld [tilespmem:s12+$0x2420]  }
0x1f7: {  	v6 =	vld [tilespmem:s12+$0x2430]  }
0x1f8: {  	[tilespmem:s12+$0xE470] =	vst.add.f32.msk $0xffff, v2  }
0x1f9: {  	v7 =	vld [tilespmem:s12+$0x2440]  }
0x1fa: {  	v8 =	vld [tilespmem:s12+$0x2450]  }
0x1fb: {  	v2 =	vld [tilespmem:s12+$0x2460]  }
0x1fc: {  	[tilespmem:s12+$0xE400] =	vst.add.f32.msk $0xffff, v3  }
.Ltmp15:
0x1fd: {  	[tilespmem:s12+$0xE410] =	vst.add.f32.msk $0xffff, v4;
	(pc) =	sbr.rel @p0 .LBB2_33-.Ltmp15, $4  }
0x1fe: {  	[tilespmem:s12+$0xE420] =	vst.add.f32.msk $0xffff, v5  }
0x1ff: {  	[tilespmem:s12+$0xE430] =	vst.add.f32.msk $0xffff, v6  }
0x200: {  	[tilespmem:s12+$0xE440] =	vst.add.f32.msk $0xffff, v7  }
0x201: {  	s8 =	sadd.s32 $0x1000, s8;
	[tilespmem:s12+$0xE450] =	vst.add.f32.msk $0xffff, v8  }
0x202: {  	s11 =	sadd.s32 $0x1, s11  }
0x203: {  	p0 =	sne.s32 s11, $0x8  }
.Ltmp16:
0x204: {  	_ = 	snop;
	(pc) =	sbr.rel @p0 .LBB2_32-.Ltmp16, $2  }
0x205: {  	_ =	sdelay $0x2  }
0x206: {  	[tilespmem:s12+$0xE460] =	vst.add.f32.msk $0xffff, v2;
	s6 =	sadd.s32 $0x200, s6  }
0x207: {  	s8 =	simm.s32 $0x0;
	s6 =	rddreg [dreg:$0x9];
	s11 =	simm.s32 $0x7  }
0x208: {  	[hbm4b:s6+s8] =	stream.linear.scatter [tilespmem:s16], [sflag:$0x7], $0x2000, $0x38;
	[tilespmem:$0x18400] =	vst v63  }
0x209: {  	_ =	swait.ge [sflag:s11], $0x2000  }
0x20a: {  	s12 =	rddreg [dreg:$0xb]  }
0x20b: {  	s18 =	rddreg [dreg:$0xa];
	s12 =	sadd.s32 $0x1, s12  }
0x20c: {  	p0 =	sne.s32 s12, s18  }
.Ltmp17:
0x20d: {  	_ = 	snop;
	(pc) =	sbr.rel @p0 .LBB2_1-.Ltmp17, $3  }
0x20e: {  	_ =	sdelay $0x1  }
0x20f: {  	[sflag:s11] =	ssyncset.done $0x0  }
0x210: {  	[sflag:s11] =	ssyncadd.s32 $0xFFFFE000  }
0x211: {  	_ =	sfence.sel $0x180000  }
0x212: {  	[bflag:$0x0] =	sbarrier.arrive $0xFFFF  }
0x213: {  	_ =	strace $0x90000047  }
0x214: {  	s0 =	stileid.u32;
	[bflag:$0x2] =	sbarrier.arrive $0xFFFF  }
0x215: {  	p0 =	sne.s32 s0, $0x0;
	s0 =	rddreg [dreg:$0x4]  }
0x216: {  	s0 =	sadd.s32 @!p0 $0x100000, s0  }
0x217: {  	[sflag:s0] =	ssyncadd.tile.s32 @!p0 $0x1;
	_ =	shalt  }
.Lfunc_end2:
_tile_overlayer_lowered:
.L_overlay_start_2:
0x218: {  	(tag) =	ssettag $0x2  }
0x219: {  	s0 =	rddreg [dreg:$0x0];
	s2 =	stileid.u32  }
0x21a: {  	s1 =	rddreg [dreg:$0x1];
	p0 =	sne.s32 s2, $0x0  }
0x21b: {  	s3 =	rddreg [dreg:$0x2];
	[bflag:$0x3] =	sbarrier.arrive $0xFFFF;
	s2 =	simm.s32 @!p0 $0x1C08  }
0x21c: {  	[timem:s3], [sflag:s2] =	dma.local @!p0 [hbm:s0], s1  }
0x21d: {  	s0 =	simm.s32 @!p0 $0x8  }
0x21e: {  	_ =	swait.ge @!p0 [sflag:s0], s1  }
0x21f: {  	s1 =	ssub.s32 @!p0 $0x0, s1;
	[sflag:s0] =	ssyncset.done @!p0 $0x0  }
0x220: {  	[sflag:s0] =	ssyncadd.s32 @!p0 s1  }
0x221: {  	[bflag:$0x3] =	sbarrier.arrive $0xFFFF  }
0x222: {  	_ =	shalt  }

</sc_bundles>
